<compile_context>
chip_gen: v7x
topology: tpu7x:2x2x1
jax: 0.10.2.dev20260603
libtpu: 0.0.44.dev20260713+nightly
codegen_flags: <defaults>
</compile_context>

<pallas_src>
import jax
import jax.numpy as jnp
from jax import lax
from jax.experimental import pallas as pl
from jax.experimental.pallas import tpu as pltpu
from jax.experimental.pallas import tpu_sc as plsc

BATCH = 16384
NUM_FIELDS = 26
FIELD_DIM = 40000
NUM_WORKERS = 32
ROWS_PER_TILE = BATCH // NUM_WORKERS
LANES = 16
CVEC = ROWS_PER_TILE // LANES
F_SPLITS = (9, 10, 7)


def _make_body(field0, nfields):

    def body(x_hbm, w_hbm, p_hbm, out_hbm, xv, idxv, gv, pv, ov, sem):
        wid = lax.axis_index("s") * 2 + lax.axis_index("c")
        col0 = wid * ROWS_PER_TILE

        pltpu.sync_copy(x_hbm.at[:, pl.ds(col0, ROWS_PER_TILE)], xv)
        if field0 == 0:
            pltpu.sync_copy(p_hbm, pv.at[pl.ds(0, 1)])
        else:
            pltpu.sync_copy(p_hbm.at[pl.ds(col0, ROWS_PER_TILE)], pv)

        @pl.loop(0, nfields * CVEC)
        def _(j):
            f = j // CVEC
            o = (j - f * CVEC) * LANES
            idxv[pl.ds(f * ROWS_PER_TILE + o, LANES)] = (
                xv[field0 + f, pl.ds(o, LANES)] + f * FIELD_DIM
            )

        pltpu.async_copy(w_hbm.at[idxv], gv, sem).wait()

        if field0 == 0:
            bias = pv[pl.ds(0, LANES)][0]

        @pl.loop(0, CVEC)
        def _(c):
            o = c * LANES
            if field0 == 0:
                acc = jnp.full((LANES,), bias, jnp.float32)
            else:
                acc = pv[pl.ds(o, LANES)]
            for f in range(nfields):
                acc = acc + gv[pl.ds(f * ROWS_PER_TILE + o, LANES)]
            ov[pl.ds(o, LANES)] = acc

        pltpu.sync_copy(ov, out_hbm.at[pl.ds(col0, ROWS_PER_TILE)])

    return body


def _make_call(field0, nfields):
    psize = LANES if field0 == 0 else ROWS_PER_TILE
    per_tile = nfields * ROWS_PER_TILE
    return pl.kernel(
        _make_body(field0, nfields),
        out_type=jax.ShapeDtypeStruct((BATCH,), jnp.float32),
        mesh=plsc.VectorSubcoreMesh(core_axis_name="c", subcore_axis_name="s"),
        scratch_types=[
            pltpu.VMEM((NUM_FIELDS, ROWS_PER_TILE), jnp.int32),
            pltpu.VMEM((per_tile,), jnp.int32),
            pltpu.VMEM((per_tile,), jnp.float32),
            pltpu.VMEM((psize,), jnp.float32),
            pltpu.VMEM((ROWS_PER_TILE,), jnp.float32),
            pltpu.SemaphoreType.DMA,
        ],
        compiler_params=pltpu.CompilerParams(needs_layout_passes=False),
    )


@jax.jit
def kernel(x, W, bias):
    x_t = x.T
    fa, fb, fc = F_SPLITS
    ra, rb = fa * FIELD_DIM, (fa + fb) * FIELD_DIM
    w_a = W[:ra].reshape(-1)
    (w2,) = lax.optimization_barrier((W,))
    w_b = w2[ra:rb].reshape(-1)
    (w3,) = lax.optimization_barrier((w2,))
    w_c = w3[rb:].reshape(-1)
    out = _make_call(0, fa)(x_t, w_a, bias)
    out = _make_call(fa, fb)(x_t, w_b, out)
    return _make_call(fa + fb, fc)(x_t, w_c, out)

# --- scband reference (transcript-rebuilt; emitter-appended) ---
"""Pipeline reference for scband-logistic-regression-57157424775454 (READ-ONLY COPY).

The authoritative reference and input builder live on the scoring server;
editing this copy changes nothing except your own understanding.
"""

import jax, jax.numpy as jnp
import numpy as np

FIELD_DIMS = [40000] * 26
OFFSETS = np.concatenate(([0], np.cumsum(FIELD_DIMS)[:-1])).astype(np.int32)
TOTAL_ROWS = int(sum(FIELD_DIMS))
BATCH = 16384
NUM_FIELDS = 26


def setup_inputs(seed: int = 0) -> dict:
    key = jax.random.key(seed)
    k1, k2 = jax.random.split(key, 2)
    # sparse categorical indices, one per field, each in [0, field_dim)
    x = jax.random.randint(k1, (BATCH, NUM_FIELDS), 0, 40000, dtype=jnp.int32)
    # learned parameters of LinearLayer: per-row weight table (output_dim=1) and bias
    W = jax.random.normal(k2, (TOTAL_ROWS, 1), dtype=jnp.float32) * 0.01
    bias = jnp.zeros((1,), dtype=jnp.float32)
    return {"x": x, "W": W, "bias": bias}


def reference(x, W, bias):
    # LinearLayer.forward: x = x + offsets; sum(Embedding(x), dim=1) + bias
    offsets = jnp.asarray(OFFSETS, dtype=x.dtype)
    idx = x + offsets[None, :]              # [B, F]
    emb = jnp.take(W, idx, axis=0)          # [B, F, 1]  (embedding gather)
    out = jnp.sum(emb, axis=1) + bias       # [B, 1]
    # LogisticRegression.forward: .squeeze(1)
    return jnp.squeeze(out, axis=1)         # [B]

if __name__ == "__main__":
    import jax
    _d = setup_inputs()
    print(jax.jit(kernel)(*tuple(_d.values())))

</pallas_src>

<mosaic_0001>
#map = affine_map<(d0, d1) -> (0, 0)>
#map1 = affine_map<(d0, d1) -> (0)>
module attributes {stable_mosaic.version = 14 : i64} {
  func.func @body(%arg0: i32, %arg1: i32, %arg2: memref<26x16384xi32, #tpu.memory_space<hbm>>, %arg3: memref<400000xf32, #tpu.memory_space<hbm>>, %arg4: memref<16384xf32, #tpu.memory_space<hbm>>, %arg5: memref<16384xf32, #tpu.memory_space<hbm>>, %arg6: memref<26x512xi32, #tpu.memory_space<vmem>>, %arg7: memref<5120xi32, #tpu.memory_space<vmem>>, %arg8: memref<5120xf32, #tpu.memory_space<vmem>>, %arg9: memref<512xf32, #tpu.memory_space<vmem>>, %arg10: memref<512xf32, #tpu.memory_space<vmem>>, %arg11: memref<!tpu.dma_semaphore, #tpu.memory_space<semaphore_mem>>) attributes {dimension_semantics = [#tpu.dimension_semantics<core_parallel>, #tpu.dimension_semantics<subcore_parallel>], iteration_bounds = array<i64: 2, 16>, scalar_prefetch = 0 : i64, scratch_operands = 6 : i64, tpu.core_type = #tpu.core_type<sc_vector_subcore>, window_params = [{transform_indices = #map}, {transform_indices = #map1}, {transform_indices = #map1}, {transform_indices = #map1}]} {
    %mul3A = arith.constant 2 : i32
    %mul3A_0 = arith.muli %arg1, %mul3A : i32
    %add3A = arith.addi %mul3A_0, %arg0 : i32
    %mul3A_1 = arith.constant 512 : i32
    %mul3A_2 = arith.muli %add3A, %mul3A_1 : i32
    "tpu.region"() ({
      %run_scoped3A = tpu.sem_alloc : memref<!tpu.dma_semaphore, #tpu.memory_space<semaphore_mem>>
      %dma_start3A_14 = arith.constant 0 : i32
      %dma_start3A_15 = tpu.memref_slice %arg2[%dma_start3A_14, %mul3A_2] : memref<26x16384xi32, #tpu.memory_space<hbm>> -> memref<26x512xi32, #tpu.memory_space<hbm>>
      %dma_start3A_16 = arith.constant 0 : i32
      %dma_start3A_17 = tpu.memref_slice %arg2[%dma_start3A_16, %mul3A_2] : memref<26x16384xi32, #tpu.memory_space<hbm>> -> memref<26x512xi32, #tpu.memory_space<hbm>>
      tpu.enqueue_dma source(%dma_start3A_17 : memref<26x512xi32, #tpu.memory_space<hbm>>) target(%arg6 : memref<26x512xi32, #tpu.memory_space<vmem>>) target_semaphore(%run_scoped3A : memref<!tpu.dma_semaphore, #tpu.memory_space<semaphore_mem>>)
      %dma_wait3A_18 = arith.constant 0 : i32
      %dma_wait3A_19 = tpu.memref_slice %arg2[%dma_wait3A_18, %mul3A_2] : memref<26x16384xi32, #tpu.memory_space<hbm>> -> memref<26x512xi32, #tpu.memory_space<hbm>>
      %dma_wait3A_20 = arith.constant 0 : i32
      %dma_wait3A_21 = tpu.memref_slice %arg2[%dma_wait3A_20, %mul3A_2] : memref<26x16384xi32, #tpu.memory_space<hbm>> -> memref<26x512xi32, #tpu.memory_space<hbm>>
      tpu.wait_dma2 semaphore(%run_scoped3A : memref<!tpu.dma_semaphore, #tpu.memory_space<semaphore_mem>>) src(%dma_wait3A_21 : memref<26x512xi32, #tpu.memory_space<hbm>>) dst(%arg6 : memref<26x512xi32, #tpu.memory_space<vmem>>)
      tpu.yield
    }) : () -> ()
    "tpu.region"() ({
      %run_scoped3A = tpu.sem_alloc : memref<!tpu.dma_semaphore, #tpu.memory_space<semaphore_mem>>
      %dma_start3A_14 = tpu.memref_slice %arg4[%mul3A_2] : memref<16384xf32, #tpu.memory_space<hbm>> -> memref<512xf32, #tpu.memory_space<hbm>>
      %dma_start3A_15 = tpu.memref_slice %arg4[%mul3A_2] : memref<16384xf32, #tpu.memory_space<hbm>> -> memref<512xf32, #tpu.memory_space<hbm>>
      tpu.enqueue_dma source(%dma_start3A_15 : memref<512xf32, #tpu.memory_space<hbm>>) target(%arg9 : memref<512xf32, #tpu.memory_space<vmem>>) target_semaphore(%run_scoped3A : memref<!tpu.dma_semaphore, #tpu.memory_space<semaphore_mem>>)
      %dma_wait3A_16 = tpu.memref_slice %arg4[%mul3A_2] : memref<16384xf32, #tpu.memory_space<hbm>> -> memref<512xf32, #tpu.memory_space<hbm>>
      %dma_wait3A_17 = tpu.memref_slice %arg4[%mul3A_2] : memref<16384xf32, #tpu.memory_space<hbm>> -> memref<512xf32, #tpu.memory_space<hbm>>
      tpu.wait_dma2 semaphore(%run_scoped3A : memref<!tpu.dma_semaphore, #tpu.memory_space<semaphore_mem>>) src(%dma_wait3A_17 : memref<512xf32, #tpu.memory_space<hbm>>) dst(%arg9 : memref<512xf32, #tpu.memory_space<vmem>>)
      tpu.yield
    }) : () -> ()
    %scan3A = arith.constant 0 : i32
    %scan3A_3 = arith.constant 320 : i32
    %scan3A_4 = arith.addi %scan3A, %scan3A_3 : i32
    %scan3A_5 = arith.constant 1 : i32
    scf.for %scan3A_14 = %scan3A to %scan3A_4 step %scan3A_5  : i32 {
      %mul3A_15 = arith.constant 1 : i32
      %mul3A_16 = arith.muli %scan3A_14, %mul3A_15 : i32
      %add3A_17 = arith.constant 0 : i32
      %add3A_18 = arith.addi %add3A_17, %mul3A_16 : i32
      %jit3A = arith.constant 32 : i32
      %div3A = arith.divsi %add3A_18, %jit3A : i32
      %sign3A = arith.constant 0 : i32
      %sign3A_19 = arith.cmpi sgt, %add3A_18, %sign3A : i32
      %sign3A_20 = arith.extui %sign3A_19 : i1 to i32
      %sign3A_21 = arith.constant 0 : i32
      %sign3A_22 = arith.cmpi slt, %add3A_18, %sign3A_21 : i32
      %sign3A_23 = arith.extui %sign3A_22 : i1 to i32
      %sign3A_24 = arith.subi %sign3A_20, %sign3A_23 : i32
      %sign3A_25 = arith.constant 0 : i32
      %sign3A_26 = arith.cmpi sgt, %jit3A, %sign3A_25 : i32
      %sign3A_27 = arith.extui %sign3A_26 : i1 to i32
      %sign3A_28 = arith.constant 0 : i32
      %sign3A_29 = arith.cmpi slt, %jit3A, %sign3A_28 : i32
      %sign3A_30 = arith.extui %sign3A_29 : i1 to i32
      %sign3A_31 = arith.subi %sign3A_27, %sign3A_30 : i32
      %ne3A = arith.cmpi ne, %sign3A_24, %sign3A_31 : i32
      %rem3A = arith.remsi %add3A_18, %jit3A : i32
      %ne3A_32 = arith.constant 0 : i32
      %ne3A_33 = arith.cmpi ne, %rem3A, %ne3A_32 : i32
      %and3A = arith.andi %ne3A, %ne3A_33 : i1
      %sub3A = arith.constant 1 : i32
      %sub3A_34 = arith.subi %div3A, %sub3A : i32
      %select_n3A = arith.select %and3A, %sub3A_34, %div3A : i32
      %mul3A_35 = arith.constant 32 : i32
      %mul3A_36 = arith.muli %select_n3A, %mul3A_35 : i32
      %sub3A_37 = arith.subi %add3A_18, %mul3A_36 : i32
      %mul3A_38 = arith.constant 16 : i32
      %mul3A_39 = arith.muli %sub3A_37, %mul3A_38 : i32
      %add3A_40 = arith.constant 9 : i32
      %add3A_41 = arith.addi %add3A_40, %select_n3A : i32
      %get3A = arith.index_cast %add3A_41 : i32 to index
      %get3A_42 = arith.index_cast %mul3A_39 : i32 to index
      %get3A_43 = tpu.vector_load %arg6[%get3A, %get3A_42] {strides = array<i32>} : memref<26x512xi32, #tpu.memory_space<vmem>>, vector<16xi32>,
      %mul3A_44 = arith.constant 40000 : i32
      %mul3A_45 = arith.muli %select_n3A, %mul3A_44 : i32
      %add3A_46 = vector.broadcast %mul3A_45 : i32 to vector<16xi32>
      %add3A_47 = arith.addi %get3A_43, %add3A_46 : vector<16xi32>
      %mul3A_48 = arith.constant 512 : i32
      %mul3A_49 = arith.muli %select_n3A, %mul3A_48 : i32
      %add3A_50 = arith.addi %mul3A_49, %mul3A_39 : i32
      %swap3A = arith.index_cast %add3A_50 : i32 to index
      %swap3A_51 = tpu.vector_load %arg7[%swap3A] {strides = array<i32>} : memref<5120xi32, #tpu.memory_space<vmem>>, vector<16xi32>,
      tpu.vector_store %arg7[%swap3A], %add3A_47 {strides = array<i32>} : memref<5120xi32, #tpu.memory_space<vmem>>, vector<16xi32>,
    }
    %scan3A_6 = arith.constant 320 : i32
    %dma_start3A = arith.constant 0 : i32
    %dma_start3A_7 = tpu.memref_slice %arg3[%dma_start3A] : memref<400000xf32, #tpu.memory_space<hbm>> -> memref<400000xf32, #tpu.memory_space<hbm>>
    tpu.enqueue_indirect_dma source(%dma_start3A_7 : memref<400000xf32, #tpu.memory_space<hbm>>) target(%arg8 : memref<5120xf32, #tpu.memory_space<vmem>>) offsets(%arg7 : memref<5120xi32, #tpu.memory_space<vmem>>) semaphore(%arg11 : memref<!tpu.dma_semaphore, #tpu.memory_space<semaphore_mem>>)
    %dma_wait3A = arith.constant 0 : i32
    %dma_wait3A_8 = tpu.memref_slice %arg3[%dma_wait3A] : memref<400000xf32, #tpu.memory_space<hbm>> -> memref<400000xf32, #tpu.memory_space<hbm>>
    tpu.wait_indirect_dma semaphore(%arg11 : memref<!tpu.dma_semaphore, #tpu.memory_space<semaphore_mem>>) src(%dma_wait3A_8 : memref<400000xf32, #tpu.memory_space<hbm>>) dst(%arg8 : memref<5120xf32, #tpu.memory_space<vmem>>)
    %scan3A_9 = arith.constant 0 : i32
    %scan3A_10 = arith.constant 32 : i32
    %scan3A_11 = arith.addi %scan3A_9, %scan3A_10 : i32
    %scan3A_12 = arith.constant 1 : i32
    scf.for %scan3A_14 = %scan3A_9 to %scan3A_11 step %scan3A_12  : i32 {
      %mul3A_15 = arith.constant 1 : i32
      %mul3A_16 = arith.muli %scan3A_14, %mul3A_15 : i32
      %add3A_17 = arith.constant 0 : i32
      %add3A_18 = arith.addi %add3A_17, %mul3A_16 : i32
      %mul3A_19 = arith.constant 16 : i32
      %mul3A_20 = arith.muli %add3A_18, %mul3A_19 : i32
      %get3A = arith.index_cast %mul3A_20 : i32 to index
      %get3A_21 = tpu.vector_load %arg9[%get3A] {strides = array<i32>} : memref<512xf32, #tpu.memory_space<vmem>>, vector<16xf32>,
      %add3A_22 = arith.constant 0 : i32
      %add3A_23 = arith.addi %add3A_22, %mul3A_20 : i32
      %get3A_24 = arith.index_cast %add3A_23 : i32 to index
      %get3A_25 = tpu.vector_load %arg8[%get3A_24] {strides = array<i32>} : memref<5120xf32, #tpu.memory_space<vmem>>, vector<16xf32>,
      %add3A_26 = arith.addf %get3A_21, %get3A_25 : vector<16xf32>
      %add3A_27 = arith.constant 512 : i32
      %add3A_28 = arith.addi %add3A_27, %mul3A_20 : i32
      %get3A_29 = arith.index_cast %add3A_28 : i32 to index
      %get3A_30 = tpu.vector_load %arg8[%get3A_29] {strides = array<i32>} : memref<5120xf32, #tpu.memory_space<vmem>>, vector<16xf32>,
      %add3A_31 = arith.addf %add3A_26, %get3A_30 : vector<16xf32>
      %add3A_32 = arith.constant 1024 : i32
      %add3A_33 = arith.addi %add3A_32, %mul3A_20 : i32
      %get3A_34 = arith.index_cast %add3A_33 : i32 to index
      %get3A_35 = tpu.vector_load %arg8[%get3A_34] {strides = array<i32>} : memref<5120xf32, #tpu.memory_space<vmem>>, vector<16xf32>,
      %add3A_36 = arith.addf %add3A_31, %get3A_35 : vector<16xf32>
      %add3A_37 = arith.constant 1536 : i32
      %add3A_38 = arith.addi %add3A_37, %mul3A_20 : i32
      %get3A_39 = arith.index_cast %add3A_38 : i32 to index
      %get3A_40 = tpu.vector_load %arg8[%get3A_39] {strides = array<i32>} : memref<5120xf32, #tpu.memory_space<vmem>>, vector<16xf32>,
      %add3A_41 = arith.addf %add3A_36, %get3A_40 : vector<16xf32>
      %add3A_42 = arith.constant 2048 : i32
      %add3A_43 = arith.addi %add3A_42, %mul3A_20 : i32
      %get3A_44 = arith.index_cast %add3A_43 : i32 to index
      %get3A_45 = tpu.vector_load %arg8[%get3A_44] {strides = array<i32>} : memref<5120xf32, #tpu.memory_space<vmem>>, vector<16xf32>,
      %add3A_46 = arith.addf %add3A_41, %get3A_45 : vector<16xf32>
      %add3A_47 = arith.constant 2560 : i32
      %add3A_48 = arith.addi %add3A_47, %mul3A_20 : i32
      %get3A_49 = arith.index_cast %add3A_48 : i32 to index
      %get3A_50 = tpu.vector_load %arg8[%get3A_49] {strides = array<i32>} : memref<5120xf32, #tpu.memory_space<vmem>>, vector<16xf32>,
      %add3A_51 = arith.addf %add3A_46, %get3A_50 : vector<16xf32>
      %add3A_52 = arith.constant 3072 : i32
      %add3A_53 = arith.addi %add3A_52, %mul3A_20 : i32
      %get3A_54 = arith.index_cast %add3A_53 : i32 to index
      %get3A_55 = tpu.vector_load %arg8[%get3A_54] {strides = array<i32>} : memref<5120xf32, #tpu.memory_space<vmem>>, vector<16xf32>,
      %add3A_56 = arith.addf %add3A_51, %get3A_55 : vector<16xf32>
      %add3A_57 = arith.constant 3584 : i32
      %add3A_58 = arith.addi %add3A_57, %mul3A_20 : i32
      %get3A_59 = arith.index_cast %add3A_58 : i32 to index
      %get3A_60 = tpu.vector_load %arg8[%get3A_59] {strides = array<i32>} : memref<5120xf32, #tpu.memory_space<vmem>>, vector<16xf32>,
      %add3A_61 = arith.addf %add3A_56, %get3A_60 : vector<16xf32>
      %add3A_62 = arith.constant 4096 : i32
      %add3A_63 = arith.addi %add3A_62, %mul3A_20 : i32
      %get3A_64 = arith.index_cast %add3A_63 : i32 to index
      %get3A_65 = tpu.vector_load %arg8[%get3A_64] {strides = array<i32>} : memref<5120xf32, #tpu.memory_space<vmem>>, vector<16xf32>,
      %add3A_66 = arith.addf %add3A_61, %get3A_65 : vector<16xf32>
      %add3A_67 = arith.constant 4608 : i32
      %add3A_68 = arith.addi %add3A_67, %mul3A_20 : i32
      %get3A_69 = arith.index_cast %add3A_68 : i32 to index
      %get3A_70 = tpu.vector_load %arg8[%get3A_69] {strides = array<i32>} : memref<5120xf32, #tpu.memory_space<vmem>>, vector<16xf32>,
      %add3A_71 = arith.addf %add3A_66, %get3A_70 : vector<16xf32>
      %swap3A = arith.index_cast %mul3A_20 : i32 to index
      %swap3A_72 = tpu.vector_load %arg10[%swap3A] {strides = array<i32>} : memref<512xf32, #tpu.memory_space<vmem>>, vector<16xf32>,
      tpu.vector_store %arg10[%swap3A], %add3A_71 {strides = array<i32>} : memref<512xf32, #tpu.memory_space<vmem>>, vector<16xf32>,
    }
    %scan3A_13 = arith.constant 32 : i32
    "tpu.region"() ({
      %run_scoped3A = tpu.sem_alloc : memref<!tpu.dma_semaphore, #tpu.memory_space<semaphore_mem>>
      %dma_start3A_14 = tpu.memref_slice %arg5[%mul3A_2] : memref<16384xf32, #tpu.memory_space<hbm>> -> memref<512xf32, #tpu.memory_space<hbm>>
      %dma_start3A_15 = tpu.memref_slice %arg5[%mul3A_2] : memref<16384xf32, #tpu.memory_space<hbm>> -> memref<512xf32, #tpu.memory_space<hbm>>
      tpu.enqueue_dma source(%arg10 : memref<512xf32, #tpu.memory_space<vmem>>) target(%dma_start3A_15 : memref<512xf32, #tpu.memory_space<hbm>>) target_semaphore(%run_scoped3A : memref<!tpu.dma_semaphore, #tpu.memory_space<semaphore_mem>>)
      %dma_wait3A_16 = tpu.memref_slice %arg5[%mul3A_2] : memref<16384xf32, #tpu.memory_space<hbm>> -> memref<512xf32, #tpu.memory_space<hbm>>
      %dma_wait3A_17 = tpu.memref_slice %arg5[%mul3A_2] : memref<16384xf32, #tpu.memory_space<hbm>> -> memref<512xf32, #tpu.memory_space<hbm>>
      tpu.wait_dma2 semaphore(%run_scoped3A : memref<!tpu.dma_semaphore, #tpu.memory_space<semaphore_mem>>) src(%arg10 : memref<512xf32, #tpu.memory_space<vmem>>) dst(%dma_wait3A_17 : memref<512xf32, #tpu.memory_space<hbm>>)
      tpu.yield
    }) : () -> ()
    return
  }
}

#map = affine_map<(d0, d1) -> (0, 0)>
#map1 = affine_map<(d0, d1) -> (0)>
module attributes {stable_mosaic.version = 14 : i64} {
  func.func @body(%arg0: i32, %arg1: i32, %arg2: memref<26x16384xi32, #tpu.memory_space<hbm>>, %arg3: memref<360000xf32, #tpu.memory_space<hbm>>, %arg4: memref<1xf32, #tpu.memory_space<hbm>>, %arg5: memref<16384xf32, #tpu.memory_space<hbm>>, %arg6: memref<26x512xi32, #tpu.memory_space<vmem>>, %arg7: memref<4608xi32, #tpu.memory_space<vmem>>, %arg8: memref<4608xf32, #tpu.memory_space<vmem>>, %arg9: memref<16xf32, #tpu.memory_space<vmem>>, %arg10: memref<512xf32, #tpu.memory_space<vmem>>, %arg11: memref<!tpu.dma_semaphore, #tpu.memory_space<semaphore_mem>>) attributes {dimension_semantics = [#tpu.dimension_semantics<core_parallel>, #tpu.dimension_semantics<subcore_parallel>], iteration_bounds = array<i64: 2, 16>, scalar_prefetch = 0 : i64, scratch_operands = 6 : i64, tpu.core_type = #tpu.core_type<sc_vector_subcore>, window_params = [{transform_indices = #map}, {transform_indices = #map1}, {transform_indices = #map1}, {transform_indices = #map1}]} {
    %mul3A = arith.constant 2 : i32
    %mul3A_0 = arith.muli %arg1, %mul3A : i32
    %add3A = arith.addi %mul3A_0, %arg0 : i32
    %mul3A_1 = arith.constant 512 : i32
    %mul3A_2 = arith.muli %add3A, %mul3A_1 : i32
    "tpu.region"() ({
      %run_scoped3A = tpu.sem_alloc : memref<!tpu.dma_semaphore, #tpu.memory_space<semaphore_mem>>
      %dma_start3A_15 = arith.constant 0 : i32
      %dma_start3A_16 = tpu.memref_slice %arg2[%dma_start3A_15, %mul3A_2] : memref<26x16384xi32, #tpu.memory_space<hbm>> -> memref<26x512xi32, #tpu.memory_space<hbm>>
      %dma_start3A_17 = arith.constant 0 : i32
      %dma_start3A_18 = tpu.memref_slice %arg2[%dma_start3A_17, %mul3A_2] : memref<26x16384xi32, #tpu.memory_space<hbm>> -> memref<26x512xi32, #tpu.memory_space<hbm>>
      tpu.enqueue_dma source(%dma_start3A_18 : memref<26x512xi32, #tpu.memory_space<hbm>>) target(%arg6 : memref<26x512xi32, #tpu.memory_space<vmem>>) target_semaphore(%run_scoped3A : memref<!tpu.dma_semaphore, #tpu.memory_space<semaphore_mem>>)
      %dma_wait3A_19 = arith.constant 0 : i32
      %dma_wait3A_20 = tpu.memref_slice %arg2[%dma_wait3A_19, %mul3A_2] : memref<26x16384xi32, #tpu.memory_space<hbm>> -> memref<26x512xi32, #tpu.memory_space<hbm>>
      %dma_wait3A_21 = arith.constant 0 : i32
      %dma_wait3A_22 = tpu.memref_slice %arg2[%dma_wait3A_21, %mul3A_2] : memref<26x16384xi32, #tpu.memory_space<hbm>> -> memref<26x512xi32, #tpu.memory_space<hbm>>
      tpu.wait_dma2 semaphore(%run_scoped3A : memref<!tpu.dma_semaphore, #tpu.memory_space<semaphore_mem>>) src(%dma_wait3A_22 : memref<26x512xi32, #tpu.memory_space<hbm>>) dst(%arg6 : memref<26x512xi32, #tpu.memory_space<vmem>>)
      tpu.yield
    }) : () -> ()
    "tpu.region"() ({
      %run_scoped3A = tpu.sem_alloc : memref<!tpu.dma_semaphore, #tpu.memory_space<semaphore_mem>>
      %dma_start3A_15 = arith.constant 0 : i32
      %dma_start3A_16 = tpu.memref_slice %arg9[%dma_start3A_15] : memref<16xf32, #tpu.memory_space<vmem>> -> memref<1xf32, #tpu.memory_space<vmem>>
      %dma_start3A_17 = arith.constant 0 : i32
      %dma_start3A_18 = tpu.memref_slice %arg9[%dma_start3A_17] : memref<16xf32, #tpu.memory_space<vmem>> -> memref<1xf32, #tpu.memory_space<vmem>>
      tpu.enqueue_dma source(%arg4 : memref<1xf32, #tpu.memory_space<hbm>>) target(%dma_start3A_18 : memref<1xf32, #tpu.memory_space<vmem>>) target_semaphore(%run_scoped3A : memref<!tpu.dma_semaphore, #tpu.memory_space<semaphore_mem>>)
      %dma_wait3A_19 = arith.constant 0 : i32
      %dma_wait3A_20 = tpu.memref_slice %arg9[%dma_wait3A_19] : memref<16xf32, #tpu.memory_space<vmem>> -> memref<1xf32, #tpu.memory_space<vmem>>
      %dma_wait3A_21 = arith.constant 0 : i32
      %dma_wait3A_22 = tpu.memref_slice %arg9[%dma_wait3A_21] : memref<16xf32, #tpu.memory_space<vmem>> -> memref<1xf32, #tpu.memory_space<vmem>>
      tpu.wait_dma2 semaphore(%run_scoped3A : memref<!tpu.dma_semaphore, #tpu.memory_space<semaphore_mem>>) src(%arg4 : memref<1xf32, #tpu.memory_space<hbm>>) dst(%dma_wait3A_22 : memref<1xf32, #tpu.memory_space<vmem>>)
      tpu.yield
    }) : () -> ()
    %scan3A = arith.constant 0 : i32
    %scan3A_3 = arith.constant 288 : i32
    %scan3A_4 = arith.addi %scan3A, %scan3A_3 : i32
    %scan3A_5 = arith.constant 1 : i32
    scf.for %scan3A_15 = %scan3A to %scan3A_4 step %scan3A_5  : i32 {
      %mul3A_16 = arith.constant 1 : i32
      %mul3A_17 = arith.muli %scan3A_15, %mul3A_16 : i32
      %add3A_18 = arith.constant 0 : i32
      %add3A_19 = arith.addi %add3A_18, %mul3A_17 : i32
      %jit3A = arith.constant 32 : i32
      %div3A = arith.divsi %add3A_19, %jit3A : i32
      %sign3A = arith.constant 0 : i32
      %sign3A_20 = arith.cmpi sgt, %add3A_19, %sign3A : i32
      %sign3A_21 = arith.extui %sign3A_20 : i1 to i32
      %sign3A_22 = arith.constant 0 : i32
      %sign3A_23 = arith.cmpi slt, %add3A_19, %sign3A_22 : i32
      %sign3A_24 = arith.extui %sign3A_23 : i1 to i32
      %sign3A_25 = arith.subi %sign3A_21, %sign3A_24 : i32
      %sign3A_26 = arith.constant 0 : i32
      %sign3A_27 = arith.cmpi sgt, %jit3A, %sign3A_26 : i32
      %sign3A_28 = arith.extui %sign3A_27 : i1 to i32
      %sign3A_29 = arith.constant 0 : i32
      %sign3A_30 = arith.cmpi slt, %jit3A, %sign3A_29 : i32
      %sign3A_31 = arith.extui %sign3A_30 : i1 to i32
      %sign3A_32 = arith.subi %sign3A_28, %sign3A_31 : i32
      %ne3A = arith.cmpi ne, %sign3A_25, %sign3A_32 : i32
      %rem3A = arith.remsi %add3A_19, %jit3A : i32
      %ne3A_33 = arith.constant 0 : i32
      %ne3A_34 = arith.cmpi ne, %rem3A, %ne3A_33 : i32
      %and3A = arith.andi %ne3A, %ne3A_34 : i1
      %sub3A = arith.constant 1 : i32
      %sub3A_35 = arith.subi %div3A, %sub3A : i32
      %select_n3A = arith.select %and3A, %sub3A_35, %div3A : i32
      %mul3A_36 = arith.constant 32 : i32
      %mul3A_37 = arith.muli %select_n3A, %mul3A_36 : i32
      %sub3A_38 = arith.subi %add3A_19, %mul3A_37 : i32
      %mul3A_39 = arith.constant 16 : i32
      %mul3A_40 = arith.muli %sub3A_38, %mul3A_39 : i32
      %add3A_41 = arith.constant 0 : i32
      %add3A_42 = arith.addi %add3A_41, %select_n3A : i32
      %get3A_43 = arith.index_cast %add3A_42 : i32 to index
      %get3A_44 = arith.index_cast %mul3A_40 : i32 to index
      %get3A_45 = tpu.vector_load %arg6[%get3A_43, %get3A_44] {strides = array<i32>} : memref<26x512xi32, #tpu.memory_space<vmem>>, vector<16xi32>,
      %mul3A_46 = arith.constant 40000 : i32
      %mul3A_47 = arith.muli %select_n3A, %mul3A_46 : i32
      %add3A_48 = vector.broadcast %mul3A_47 : i32 to vector<16xi32>
      %add3A_49 = arith.addi %get3A_45, %add3A_48 : vector<16xi32>
      %mul3A_50 = arith.constant 512 : i32
      %mul3A_51 = arith.muli %select_n3A, %mul3A_50 : i32
      %add3A_52 = arith.addi %mul3A_51, %mul3A_40 : i32
      %swap3A = arith.index_cast %add3A_52 : i32 to index
      %swap3A_53 = tpu.vector_load %arg7[%swap3A] {strides = array<i32>} : memref<4608xi32, #tpu.memory_space<vmem>>, vector<16xi32>,
      tpu.vector_store %arg7[%swap3A], %add3A_49 {strides = array<i32>} : memref<4608xi32, #tpu.memory_space<vmem>>, vector<16xi32>,
    }
    %scan3A_6 = arith.constant 288 : i32
    %dma_start3A = arith.constant 0 : i32
    %dma_start3A_7 = tpu.memref_slice %arg3[%dma_start3A] : memref<360000xf32, #tpu.memory_space<hbm>> -> memref<360000xf32, #tpu.memory_space<hbm>>
    tpu.enqueue_indirect_dma source(%dma_start3A_7 : memref<360000xf32, #tpu.memory_space<hbm>>) target(%arg8 : memref<4608xf32, #tpu.memory_space<vmem>>) offsets(%arg7 : memref<4608xi32, #tpu.memory_space<vmem>>) semaphore(%arg11 : memref<!tpu.dma_semaphore, #tpu.memory_space<semaphore_mem>>)
    %dma_wait3A = arith.constant 0 : i32
    %dma_wait3A_8 = tpu.memref_slice %arg3[%dma_wait3A] : memref<360000xf32, #tpu.memory_space<hbm>> -> memref<360000xf32, #tpu.memory_space<hbm>>
    tpu.wait_indirect_dma semaphore(%arg11 : memref<!tpu.dma_semaphore, #tpu.memory_space<semaphore_mem>>) src(%dma_wait3A_8 : memref<360000xf32, #tpu.memory_space<hbm>>) dst(%arg8 : memref<4608xf32, #tpu.memory_space<vmem>>)
    %get3A = arith.constant 0 : index
    %get3A_9 = tpu.vector_load %arg9[%get3A] {strides = array<i32>} : memref<16xf32, #tpu.memory_space<vmem>>, vector<16xf32>,
    %slice3A = vector.extract_strided_slice %get3A_9 {offsets = [0], sizes = [1], strides = [1]} : vector<16xf32> to vector<1xf32>
    %squeeze3A = vector.extract %slice3A[0] : f32 from vector<1xf32>
    %scan3A_10 = arith.constant 0 : i32
    %scan3A_11 = arith.constant 32 : i32
    %scan3A_12 = arith.addi %scan3A_10, %scan3A_11 : i32
    %scan3A_13 = arith.constant 1 : i32
    scf.for %scan3A_15 = %scan3A_10 to %scan3A_12 step %scan3A_13  : i32 {
      %mul3A_16 = arith.constant 1 : i32
      %mul3A_17 = arith.muli %scan3A_15, %mul3A_16 : i32
      %add3A_18 = arith.constant 0 : i32
      %add3A_19 = arith.addi %add3A_18, %mul3A_17 : i32
      %mul3A_20 = arith.constant 16 : i32
      %mul3A_21 = arith.muli %add3A_19, %mul3A_20 : i32
      %broadcast_in_dim3A = vector.broadcast %squeeze3A : f32 to vector<16xf32>
      %add3A_22 = arith.constant 0 : i32
      %add3A_23 = arith.addi %add3A_22, %mul3A_21 : i32
      %get3A_24 = arith.index_cast %add3A_23 : i32 to index
      %get3A_25 = tpu.vector_load %arg8[%get3A_24] {strides = array<i32>} : memref<4608xf32, #tpu.memory_space<vmem>>, vector<16xf32>,
      %add3A_26 = arith.addf %broadcast_in_dim3A, %get3A_25 : vector<16xf32>
      %add3A_27 = arith.constant 512 : i32
      %add3A_28 = arith.addi %add3A_27, %mul3A_21 : i32
      %get3A_29 = arith.index_cast %add3A_28 : i32 to index
      %get3A_30 = tpu.vector_load %arg8[%get3A_29] {strides = array<i32>} : memref<4608xf32, #tpu.memory_space<vmem>>, vector<16xf32>,
      %add3A_31 = arith.addf %add3A_26, %get3A_30 : vector<16xf32>
      %add3A_32 = arith.constant 1024 : i32
      %add3A_33 = arith.addi %add3A_32, %mul3A_21 : i32
      %get3A_34 = arith.index_cast %add3A_33 : i32 to index
      %get3A_35 = tpu.vector_load %arg8[%get3A_34] {strides = array<i32>} : memref<4608xf32, #tpu.memory_space<vmem>>, vector<16xf32>,
      %add3A_36 = arith.addf %add3A_31, %get3A_35 : vector<16xf32>
      %add3A_37 = arith.constant 1536 : i32
      %add3A_38 = arith.addi %add3A_37, %mul3A_21 : i32
      %get3A_39 = arith.index_cast %add3A_38 : i32 to index
      %get3A_40 = tpu.vector_load %arg8[%get3A_39] {strides = array<i32>} : memref<4608xf32, #tpu.memory_space<vmem>>, vector<16xf32>,
      %add3A_41 = arith.addf %add3A_36, %get3A_40 : vector<16xf32>
      %add3A_42 = arith.constant 2048 : i32
      %add3A_43 = arith.addi %add3A_42, %mul3A_21 : i32
      %get3A_44 = arith.index_cast %add3A_43 : i32 to index
      %get3A_45 = tpu.vector_load %arg8[%get3A_44] {strides = array<i32>} : memref<4608xf32, #tpu.memory_space<vmem>>, vector<16xf32>,
      %add3A_46 = arith.addf %add3A_41, %get3A_45 : vector<16xf32>
      %add3A_47 = arith.constant 2560 : i32
      %add3A_48 = arith.addi %add3A_47, %mul3A_21 : i32
      %get3A_49 = arith.index_cast %add3A_48 : i32 to index
      %get3A_50 = tpu.vector_load %arg8[%get3A_49] {strides = array<i32>} : memref<4608xf32, #tpu.memory_space<vmem>>, vector<16xf32>,
      %add3A_51 = arith.addf %add3A_46, %get3A_50 : vector<16xf32>
      %add3A_52 = arith.constant 3072 : i32
      %add3A_53 = arith.addi %add3A_52, %mul3A_21 : i32
      %get3A_54 = arith.index_cast %add3A_53 : i32 to index
      %get3A_55 = tpu.vector_load %arg8[%get3A_54] {strides = array<i32>} : memref<4608xf32, #tpu.memory_space<vmem>>, vector<16xf32>,
      %add3A_56 = arith.addf %add3A_51, %get3A_55 : vector<16xf32>
      %add3A_57 = arith.constant 3584 : i32
      %add3A_58 = arith.addi %add3A_57, %mul3A_21 : i32
      %get3A_59 = arith.index_cast %add3A_58 : i32 to index
      %get3A_60 = tpu.vector_load %arg8[%get3A_59] {strides = array<i32>} : memref<4608xf32, #tpu.memory_space<vmem>>, vector<16xf32>,
      %add3A_61 = arith.addf %add3A_56, %get3A_60 : vector<16xf32>
      %add3A_62 = arith.constant 4096 : i32
      %add3A_63 = arith.addi %add3A_62, %mul3A_21 : i32
      %get3A_64 = arith.index_cast %add3A_63 : i32 to index
      %get3A_65 = tpu.vector_load %arg8[%get3A_64] {strides = array<i32>} : memref<4608xf32, #tpu.memory_space<vmem>>, vector<16xf32>,
      %add3A_66 = arith.addf %add3A_61, %get3A_65 : vector<16xf32>
      %swap3A = arith.index_cast %mul3A_21 : i32 to index
      %swap3A_67 = tpu.vector_load %arg10[%swap3A] {strides = array<i32>} : memref<512xf32, #tpu.memory_space<vmem>>, vector<16xf32>,
      tpu.vector_store %arg10[%swap3A], %add3A_66 {strides = array<i32>} : memref<512xf32, #tpu.memory_space<vmem>>, vector<16xf32>,
    }
    %scan3A_14 = arith.constant 32 : i32
    "tpu.region"() ({
      %run_scoped3A = tpu.sem_alloc : memref<!tpu.dma_semaphore, #tpu.memory_space<semaphore_mem>>
      %dma_start3A_15 = tpu.memref_slice %arg5[%mul3A_2] : memref<16384xf32, #tpu.memory_space<hbm>> -> memref<512xf32, #tpu.memory_space<hbm>>
      %dma_start3A_16 = tpu.memref_slice %arg5[%mul3A_2] : memref<16384xf32, #tpu.memory_space<hbm>> -> memref<512xf32, #tpu.memory_space<hbm>>
      tpu.enqueue_dma source(%arg10 : memref<512xf32, #tpu.memory_space<vmem>>) target(%dma_start3A_16 : memref<512xf32, #tpu.memory_space<hbm>>) target_semaphore(%run_scoped3A : memref<!tpu.dma_semaphore, #tpu.memory_space<semaphore_mem>>)
      %dma_wait3A_17 = tpu.memref_slice %arg5[%mul3A_2] : memref<16384xf32, #tpu.memory_space<hbm>> -> memref<512xf32, #tpu.memory_space<hbm>>
      %dma_wait3A_18 = tpu.memref_slice %arg5[%mul3A_2] : memref<16384xf32, #tpu.memory_space<hbm>> -> memref<512xf32, #tpu.memory_space<hbm>>
      tpu.wait_dma2 semaphore(%run_scoped3A : memref<!tpu.dma_semaphore, #tpu.memory_space<semaphore_mem>>) src(%arg10 : memref<512xf32, #tpu.memory_space<vmem>>) dst(%dma_wait3A_18 : memref<512xf32, #tpu.memory_space<hbm>>)
      tpu.yield
    }) : () -> ()
    return
  }
}

#map = affine_map<(d0, d1) -> (0, 0)>
#map1 = affine_map<(d0, d1) -> (0)>
module attributes {stable_mosaic.version = 14 : i64} {
  func.func @body(%arg0: i32, %arg1: i32, %arg2: memref<26x16384xi32, #tpu.memory_space<hbm>>, %arg3: memref<280000xf32, #tpu.memory_space<hbm>>, %arg4: memref<16384xf32, #tpu.memory_space<hbm>>, %arg5: memref<16384xf32, #tpu.memory_space<hbm>>, %arg6: memref<26x512xi32, #tpu.memory_space<vmem>>, %arg7: memref<3584xi32, #tpu.memory_space<vmem>>, %arg8: memref<3584xf32, #tpu.memory_space<vmem>>, %arg9: memref<512xf32, #tpu.memory_space<vmem>>, %arg10: memref<512xf32, #tpu.memory_space<vmem>>, %arg11: memref<!tpu.dma_semaphore, #tpu.memory_space<semaphore_mem>>) attributes {dimension_semantics = [#tpu.dimension_semantics<core_parallel>, #tpu.dimension_semantics<subcore_parallel>], iteration_bounds = array<i64: 2, 16>, scalar_prefetch = 0 : i64, scratch_operands = 6 : i64, tpu.core_type = #tpu.core_type<sc_vector_subcore>, window_params = [{transform_indices = #map}, {transform_indices = #map1}, {transform_indices = #map1}, {transform_indices = #map1}]} {
    %mul3A = arith.constant 2 : i32
    %mul3A_0 = arith.muli %arg1, %mul3A : i32
    %add3A = arith.addi %mul3A_0, %arg0 : i32
    %mul3A_1 = arith.constant 512 : i32
    %mul3A_2 = arith.muli %add3A, %mul3A_1 : i32
    "tpu.region"() ({
      %run_scoped3A = tpu.sem_alloc : memref<!tpu.dma_semaphore, #tpu.memory_space<semaphore_mem>>
      %dma_start3A_14 = arith.constant 0 : i32
      %dma_start3A_15 = tpu.memref_slice %arg2[%dma_start3A_14, %mul3A_2] : memref<26x16384xi32, #tpu.memory_space<hbm>> -> memref<26x512xi32, #tpu.memory_space<hbm>>
      %dma_start3A_16 = arith.constant 0 : i32
      %dma_start3A_17 = tpu.memref_slice %arg2[%dma_start3A_16, %mul3A_2] : memref<26x16384xi32, #tpu.memory_space<hbm>> -> memref<26x512xi32, #tpu.memory_space<hbm>>
      tpu.enqueue_dma source(%dma_start3A_17 : memref<26x512xi32, #tpu.memory_space<hbm>>) target(%arg6 : memref<26x512xi32, #tpu.memory_space<vmem>>) target_semaphore(%run_scoped3A : memref<!tpu.dma_semaphore, #tpu.memory_space<semaphore_mem>>)
      %dma_wait3A_18 = arith.constant 0 : i32
      %dma_wait3A_19 = tpu.memref_slice %arg2[%dma_wait3A_18, %mul3A_2] : memref<26x16384xi32, #tpu.memory_space<hbm>> -> memref<26x512xi32, #tpu.memory_space<hbm>>
      %dma_wait3A_20 = arith.constant 0 : i32
      %dma_wait3A_21 = tpu.memref_slice %arg2[%dma_wait3A_20, %mul3A_2] : memref<26x16384xi32, #tpu.memory_space<hbm>> -> memref<26x512xi32, #tpu.memory_space<hbm>>
      tpu.wait_dma2 semaphore(%run_scoped3A : memref<!tpu.dma_semaphore, #tpu.memory_space<semaphore_mem>>) src(%dma_wait3A_21 : memref<26x512xi32, #tpu.memory_space<hbm>>) dst(%arg6 : memref<26x512xi32, #tpu.memory_space<vmem>>)
      tpu.yield
    }) : () -> ()
    "tpu.region"() ({
      %run_scoped3A = tpu.sem_alloc : memref<!tpu.dma_semaphore, #tpu.memory_space<semaphore_mem>>
      %dma_start3A_14 = tpu.memref_slice %arg4[%mul3A_2] : memref<16384xf32, #tpu.memory_space<hbm>> -> memref<512xf32, #tpu.memory_space<hbm>>
      %dma_start3A_15 = tpu.memref_slice %arg4[%mul3A_2] : memref<16384xf32, #tpu.memory_space<hbm>> -> memref<512xf32, #tpu.memory_space<hbm>>
      tpu.enqueue_dma source(%dma_start3A_15 : memref<512xf32, #tpu.memory_space<hbm>>) target(%arg9 : memref<512xf32, #tpu.memory_space<vmem>>) target_semaphore(%run_scoped3A : memref<!tpu.dma_semaphore, #tpu.memory_space<semaphore_mem>>)
      %dma_wait3A_16 = tpu.memref_slice %arg4[%mul3A_2] : memref<16384xf32, #tpu.memory_space<hbm>> -> memref<512xf32, #tpu.memory_space<hbm>>
      %dma_wait3A_17 = tpu.memref_slice %arg4[%mul3A_2] : memref<16384xf32, #tpu.memory_space<hbm>> -> memref<512xf32, #tpu.memory_space<hbm>>
      tpu.wait_dma2 semaphore(%run_scoped3A : memref<!tpu.dma_semaphore, #tpu.memory_space<semaphore_mem>>) src(%dma_wait3A_17 : memref<512xf32, #tpu.memory_space<hbm>>) dst(%arg9 : memref<512xf32, #tpu.memory_space<vmem>>)
      tpu.yield
    }) : () -> ()
    %scan3A = arith.constant 0 : i32
    %scan3A_3 = arith.constant 224 : i32
    %scan3A_4 = arith.addi %scan3A, %scan3A_3 : i32
    %scan3A_5 = arith.constant 1 : i32
    scf.for %scan3A_14 = %scan3A to %scan3A_4 step %scan3A_5  : i32 {
      %mul3A_15 = arith.constant 1 : i32
      %mul3A_16 = arith.muli %scan3A_14, %mul3A_15 : i32
      %add3A_17 = arith.constant 0 : i32
      %add3A_18 = arith.addi %add3A_17, %mul3A_16 : i32
      %jit3A = arith.constant 32 : i32
      %div3A = arith.divsi %add3A_18, %jit3A : i32
      %sign3A = arith.constant 0 : i32
      %sign3A_19 = arith.cmpi sgt, %add3A_18, %sign3A : i32
      %sign3A_20 = arith.extui %sign3A_19 : i1 to i32
      %sign3A_21 = arith.constant 0 : i32
      %sign3A_22 = arith.cmpi slt, %add3A_18, %sign3A_21 : i32
      %sign3A_23 = arith.extui %sign3A_22 : i1 to i32
      %sign3A_24 = arith.subi %sign3A_20, %sign3A_23 : i32
      %sign3A_25 = arith.constant 0 : i32
      %sign3A_26 = arith.cmpi sgt, %jit3A, %sign3A_25 : i32
      %sign3A_27 = arith.extui %sign3A_26 : i1 to i32
      %sign3A_28 = arith.constant 0 : i32
      %sign3A_29 = arith.cmpi slt, %jit3A, %sign3A_28 : i32
      %sign3A_30 = arith.extui %sign3A_29 : i1 to i32
      %sign3A_31 = arith.subi %sign3A_27, %sign3A_30 : i32
      %ne3A = arith.cmpi ne, %sign3A_24, %sign3A_31 : i32
      %rem3A = arith.remsi %add3A_18, %jit3A : i32
      %ne3A_32 = arith.constant 0 : i32
      %ne3A_33 = arith.cmpi ne, %rem3A, %ne3A_32 : i32
      %and3A = arith.andi %ne3A, %ne3A_33 : i1
      %sub3A = arith.constant 1 : i32
      %sub3A_34 = arith.subi %div3A, %sub3A : i32
      %select_n3A = arith.select %and3A, %sub3A_34, %div3A : i32
      %mul3A_35 = arith.constant 32 : i32
      %mul3A_36 = arith.muli %select_n3A, %mul3A_35 : i32
      %sub3A_37 = arith.subi %add3A_18, %mul3A_36 : i32
      %mul3A_38 = arith.constant 16 : i32
      %mul3A_39 = arith.muli %sub3A_37, %mul3A_38 : i32
      %add3A_40 = arith.constant 19 : i32
      %add3A_41 = arith.addi %add3A_40, %select_n3A : i32
      %get3A = arith.index_cast %add3A_41 : i32 to index
      %get3A_42 = arith.index_cast %mul3A_39 : i32 to index
      %get3A_43 = tpu.vector_load %arg6[%get3A, %get3A_42] {strides = array<i32>} : memref<26x512xi32, #tpu.memory_space<vmem>>, vector<16xi32>,
      %mul3A_44 = arith.constant 40000 : i32
      %mul3A_45 = arith.muli %select_n3A, %mul3A_44 : i32
      %add3A_46 = vector.broadcast %mul3A_45 : i32 to vector<16xi32>
      %add3A_47 = arith.addi %get3A_43, %add3A_46 : vector<16xi32>
      %mul3A_48 = arith.constant 512 : i32
      %mul3A_49 = arith.muli %select_n3A, %mul3A_48 : i32
      %add3A_50 = arith.addi %mul3A_49, %mul3A_39 : i32
      %swap3A = arith.index_cast %add3A_50 : i32 to index
      %swap3A_51 = tpu.vector_load %arg7[%swap3A] {strides = array<i32>} : memref<3584xi32, #tpu.memory_space<vmem>>, vector<16xi32>,
      tpu.vector_store %arg7[%swap3A], %add3A_47 {strides = array<i32>} : memref<3584xi32, #tpu.memory_space<vmem>>, vector<16xi32>,
    }
    %scan3A_6 = arith.constant 224 : i32
    %dma_start3A = arith.constant 0 : i32
    %dma_start3A_7 = tpu.memref_slice %arg3[%dma_start3A] : memref<280000xf32, #tpu.memory_space<hbm>> -> memref<280000xf32, #tpu.memory_space<hbm>>
    tpu.enqueue_indirect_dma source(%dma_start3A_7 : memref<280000xf32, #tpu.memory_space<hbm>>) target(%arg8 : memref<3584xf32, #tpu.memory_space<vmem>>) offsets(%arg7 : memref<3584xi32, #tpu.memory_space<vmem>>) semaphore(%arg11 : memref<!tpu.dma_semaphore, #tpu.memory_space<semaphore_mem>>)
    %dma_wait3A = arith.constant 0 : i32
    %dma_wait3A_8 = tpu.memref_slice %arg3[%dma_wait3A] : memref<280000xf32, #tpu.memory_space<hbm>> -> memref<280000xf32, #tpu.memory_space<hbm>>
    tpu.wait_indirect_dma semaphore(%arg11 : memref<!tpu.dma_semaphore, #tpu.memory_space<semaphore_mem>>) src(%dma_wait3A_8 : memref<280000xf32, #tpu.memory_space<hbm>>) dst(%arg8 : memref<3584xf32, #tpu.memory_space<vmem>>)
    %scan3A_9 = arith.constant 0 : i32
    %scan3A_10 = arith.constant 32 : i32
    %scan3A_11 = arith.addi %scan3A_9, %scan3A_10 : i32
    %scan3A_12 = arith.constant 1 : i32
    scf.for %scan3A_14 = %scan3A_9 to %scan3A_11 step %scan3A_12  : i32 {
      %mul3A_15 = arith.constant 1 : i32
      %mul3A_16 = arith.muli %scan3A_14, %mul3A_15 : i32
      %add3A_17 = arith.constant 0 : i32
      %add3A_18 = arith.addi %add3A_17, %mul3A_16 : i32
      %mul3A_19 = arith.constant 16 : i32
      %mul3A_20 = arith.muli %add3A_18, %mul3A_19 : i32
      %get3A = arith.index_cast %mul3A_20 : i32 to index
      %get3A_21 = tpu.vector_load %arg9[%get3A] {strides = array<i32>} : memref<512xf32, #tpu.memory_space<vmem>>, vector<16xf32>,
      %add3A_22 = arith.constant 0 : i32
      %add3A_23 = arith.addi %add3A_22, %mul3A_20 : i32
      %get3A_24 = arith.index_cast %add3A_23 : i32 to index
      %get3A_25 = tpu.vector_load %arg8[%get3A_24] {strides = array<i32>} : memref<3584xf32, #tpu.memory_space<vmem>>, vector<16xf32>,
      %add3A_26 = arith.addf %get3A_21, %get3A_25 : vector<16xf32>
      %add3A_27 = arith.constant 512 : i32
      %add3A_28 = arith.addi %add3A_27, %mul3A_20 : i32
      %get3A_29 = arith.index_cast %add3A_28 : i32 to index
      %get3A_30 = tpu.vector_load %arg8[%get3A_29] {strides = array<i32>} : memref<3584xf32, #tpu.memory_space<vmem>>, vector<16xf32>,
      %add3A_31 = arith.addf %add3A_26, %get3A_30 : vector<16xf32>
      %add3A_32 = arith.constant 1024 : i32
      %add3A_33 = arith.addi %add3A_32, %mul3A_20 : i32
      %get3A_34 = arith.index_cast %add3A_33 : i32 to index
      %get3A_35 = tpu.vector_load %arg8[%get3A_34] {strides = array<i32>} : memref<3584xf32, #tpu.memory_space<vmem>>, vector<16xf32>,
      %add3A_36 = arith.addf %add3A_31, %get3A_35 : vector<16xf32>
      %add3A_37 = arith.constant 1536 : i32
      %add3A_38 = arith.addi %add3A_37, %mul3A_20 : i32
      %get3A_39 = arith.index_cast %add3A_38 : i32 to index
      %get3A_40 = tpu.vector_load %arg8[%get3A_39] {strides = array<i32>} : memref<3584xf32, #tpu.memory_space<vmem>>, vector<16xf32>,
      %add3A_41 = arith.addf %add3A_36, %get3A_40 : vector<16xf32>
      %add3A_42 = arith.constant 2048 : i32
      %add3A_43 = arith.addi %add3A_42, %mul3A_20 : i32
      %get3A_44 = arith.index_cast %add3A_43 : i32 to index
      %get3A_45 = tpu.vector_load %arg8[%get3A_44] {strides = array<i32>} : memref<3584xf32, #tpu.memory_space<vmem>>, vector<16xf32>,
      %add3A_46 = arith.addf %add3A_41, %get3A_45 : vector<16xf32>
      %add3A_47 = arith.constant 2560 : i32
      %add3A_48 = arith.addi %add3A_47, %mul3A_20 : i32
      %get3A_49 = arith.index_cast %add3A_48 : i32 to index
      %get3A_50 = tpu.vector_load %arg8[%get3A_49] {strides = array<i32>} : memref<3584xf32, #tpu.memory_space<vmem>>, vector<16xf32>,
      %add3A_51 = arith.addf %add3A_46, %get3A_50 : vector<16xf32>
      %add3A_52 = arith.constant 3072 : i32
      %add3A_53 = arith.addi %add3A_52, %mul3A_20 : i32
      %get3A_54 = arith.index_cast %add3A_53 : i32 to index
      %get3A_55 = tpu.vector_load %arg8[%get3A_54] {strides = array<i32>} : memref<3584xf32, #tpu.memory_space<vmem>>, vector<16xf32>,
      %add3A_56 = arith.addf %add3A_51, %get3A_55 : vector<16xf32>
      %swap3A = arith.index_cast %mul3A_20 : i32 to index
      %swap3A_57 = tpu.vector_load %arg10[%swap3A] {strides = array<i32>} : memref<512xf32, #tpu.memory_space<vmem>>, vector<16xf32>,
      tpu.vector_store %arg10[%swap3A], %add3A_56 {strides = array<i32>} : memref<512xf32, #tpu.memory_space<vmem>>, vector<16xf32>,
    }
    %scan3A_13 = arith.constant 32 : i32
    "tpu.region"() ({
      %run_scoped3A = tpu.sem_alloc : memref<!tpu.dma_semaphore, #tpu.memory_space<semaphore_mem>>
      %dma_start3A_14 = tpu.memref_slice %arg5[%mul3A_2] : memref<16384xf32, #tpu.memory_space<hbm>> -> memref<512xf32, #tpu.memory_space<hbm>>
      %dma_start3A_15 = tpu.memref_slice %arg5[%mul3A_2] : memref<16384xf32, #tpu.memory_space<hbm>> -> memref<512xf32, #tpu.memory_space<hbm>>
      tpu.enqueue_dma source(%arg10 : memref<512xf32, #tpu.memory_space<vmem>>) target(%dma_start3A_15 : memref<512xf32, #tpu.memory_space<hbm>>) target_semaphore(%run_scoped3A : memref<!tpu.dma_semaphore, #tpu.memory_space<semaphore_mem>>)
      %dma_wait3A_16 = tpu.memref_slice %arg5[%mul3A_2] : memref<16384xf32, #tpu.memory_space<hbm>> -> memref<512xf32, #tpu.memory_space<hbm>>
      %dma_wait3A_17 = tpu.memref_slice %arg5[%mul3A_2] : memref<16384xf32, #tpu.memory_space<hbm>> -> memref<512xf32, #tpu.memory_space<hbm>>
      tpu.wait_dma2 semaphore(%run_scoped3A : memref<!tpu.dma_semaphore, #tpu.memory_space<semaphore_mem>>) src(%arg10 : memref<512xf32, #tpu.memory_space<vmem>>) dst(%dma_wait3A_17 : memref<512xf32, #tpu.memory_space<hbm>>)
      tpu.yield
    }) : () -> ()
    return
  }
}

</mosaic_0001>

<sc_bundles>
// kernel: kernel.11.cloned.1.call-start
scs
__scs_entry_jumppad:
0x0: {  	(pc) =	sbr.rel $0x88, $3  }
0x1: {  	(tag) =	ssettag $0x0;
	lr =	simm.s32 $0x1  }
0x2: {  	[smem:$0x3F9E] =	sst lr;
	_ =	strace $0xD0000000  }
0x3: {  	_ = 	snop  }
0x4: {  	_ = 	snop  }
0x5: {  	_ = 	snop  }
0x6: {  	_ = 	snop  }
0x7: {  	_ = 	snop  }
__scs_overlays_trampoline_lowered:
0x8: {  	[smem:$0x3FAD] =	sst s0  }
0x9: {  	[smem:$0x3FAE] =	sst s1  }
0xa: {  	[smem:$0x3FAF] =	sst s2  }
0xb: {  	[smem:$0x3FB0] =	sst s3  }
0xc: {  	[smem:$0x3FB1] =	sst s4  }
0xd: {  	[smem:$0x3FB2] =	sst s5  }
0xe: {  	[smem:$0x3FB3] =	sst s6  }
0xf: {  	[smem:$0x3FB4] =	sst s7  }
0x10: {  	[smem:$0x3FB5] =	sst s8  }
0x11: {  	[smem:$0x3FB6] =	sst s9;
	s0 =	simm.s32 @!p0 $0x0  }
0x12: {  	s1 =	sld [smem:$0x3F9C];
	s0 =	simm.s32 @p0 $0x1  }
0x13: {  	[smem:$0x3FB7] =	sst s0;
	s0 =	simm.s32 @!p1 $0x0  }
0x14: {  	s2 =	sld [smem:$0x3F9B];
	s0 =	simm.s32 @p1 $0x1  }
0x15: {  	[smem:$0x3FB8] =	sst s0;
	s0 =	simm.s32 @!p2 $0x0  }
0x16: {  	s3 =	sld [smem:$0x3FDB];
	s0 =	simm.s32 @p2 $0x1  }
0x17: {  	s4 =	simm.s32 $0x1BF5;
	[smem:$0x3FBA] =	sst s0  }
0x18: {  	s0 =	sld [smem:$0x3F9D];
	_ =	swait.ge [sflag:s4], $0x0  }
0x19: {  	s7 =	sld [smem:$0x3F9E]  }
0x1a: {  	s8 =	sadd.s32 $0xFFFFE003, lr  }
0x1b: {  	s9 =	sadd.s32 $0xFFFFFEF7, lr;
	s5 =	simm.s32 $0xFFFFFFFF;
	p2 =	slt.u32 s8, $0xFFFFF086  }
0x1c: {  	p1 =	slt.u32 s9, $0xF7A;
	s5 =	simm.s32 @!p2 $0x0  }
0x1d: {  	s5 =	simm.s32 @p1 $0x1;
	p0 =	seq.s32 s7, s2  }
0x1e: {  	s7 =	smul.u32 @!p0 $0xF7A, s2;
	p2 =	seq.s32 @!p0 s5, $0x0  }
0x1f: {  	s9 =	smul.u32 $0xF7A, s1;
	s8 =	simm.s32 @!p0 $0x1BF5;
	p2 =	por !p2, p0  }
0x20: {  	[sflag:s8] =	ssyncset.s32 @!p0 $0xFFFFF086;
	s6 =	sadd.s32 @!p0 s3, s7;
	s7 =	simm.s32 @!p0 $0x108  }
0x21: {  	s3 =	sadd.s32 s3, s9;
	s6 =	sadd.s32 @!p0 $0x88, s6;
	s7 =	simm.s32 @p2 $0x1082  }
0x22: {  	[simem:s7], [sflag:s8] =	dma.local @!p0 [hbm:s6], $0xF7A  }
0x23: {  	s9 =	sor.u32 $0xD0000000, s2;
	s6 =	simm.s32 $0x108;
	_ =	swait.ge @!p0 [sflag:s8], $0x0  }
0x24: {  	s3 =	sadd.s32 $0x88, s3;
	s6 =	simm.s32 @!p1 $0x1082;
	[sflag:s4] =	ssyncset.s32 $0xFFFFF086  }
0x25: {  	[simem:s6], [sflag:s4] =	dma.local [hbm:s3], $0xF7A  }
0x26: {  	[smem:$0x3F9E] =	sst s1;
	(tag) =	ssettag s2;
	_ =	strace s9  }
0x27: {  	s1 =	sld [smem:$0x3FAE]  }
0x28: {  	s2 =	sld [smem:$0x3FAF]  }
0x29: {  	s4 =	sld [smem:$0x3FB1]  }
0x2a: {  	p0 =	seq.s32 s5, $0x0;
	s5 =	sld [smem:$0x3FB2]  }
0x2b: {  	s6 =	sld [smem:$0x3FB3]  }
0x2c: {  	s7 =	sld [smem:$0x3FB4]  }
0x2d: {  	s3 =	simm.s32 $0x108;
	s8 =	sld [smem:$0x3FB5]  }
0x2e: {  	s3 =	simm.s32 @!p0 $0x1082;
	s9 =	sld [smem:$0x3FB6]  }
0x2f: {  	lr =	sadd.s32 s0, s3;
	s0 =	sld [smem:$0x3FAD]  }
0x30: {  	s3 =	sld [smem:$0x3FB0]  }
0x31: {  	[smem:$0x3FB9] =	sst s10  }
0x32: {  	s10 =	sld [smem:$0x3FB7];
	_ =	sdelay $0x3  }
0x33: {  	p0 =	seq.s32 s10, $0x1;
	s10 =	sld [smem:$0x3FB9];
	_ =	sdelay $0x3  }
0x34: {  	[smem:$0x3FB9] =	sst s10  }
0x35: {  	s10 =	sld [smem:$0x3FB8];
	_ =	sdelay $0x3  }
0x36: {  	p1 =	seq.s32 s10, $0x1;
	s10 =	sld [smem:$0x3FB9];
	_ =	sdelay $0x3  }
0x37: {  	[smem:$0x3FB9] =	sst s10  }
0x38: {  	s10 =	sld [smem:$0x3FBA]  }
0x39: {  	_ = 	snop;
	(pc) =	sbr.ind lr, $3  }
0x3a: {  	_ = 	snop  }
0x3b: {  	_ = 	snop  }
0x3c: {  	p2 =	seq.s32 s10, $0x1;
	s10 =	sld [smem:$0x3FB9]  }
0x3d: {  	_ =	shalt  }
0x3e: {  	_ =	shalt  }
0x3f: {  	_ =	shalt  }
0x40: {  	_ =	shalt  }
0x41: {  	_ =	shalt  }
0x42: {  	_ =	shalt  }
0x43: {  	_ =	shalt  }
0x44: {  	_ =	shalt  }
0x45: {  	_ =	shalt  }
0x46: {  	_ =	shalt  }
0x47: {  	_ =	shalt  }
0x48: {  	_ =	shalt  }
0x49: {  	_ =	shalt  }
0x4a: {  	_ =	shalt  }
0x4b: {  	_ =	shalt  }
0x4c: {  	_ =	shalt  }
0x4d: {  	_ =	shalt  }
0x4e: {  	_ =	shalt  }
0x4f: {  	_ =	shalt  }
0x50: {  	_ =	shalt  }
0x51: {  	_ =	shalt  }
0x52: {  	_ =	shalt  }
0x53: {  	_ =	shalt  }
0x54: {  	_ =	shalt  }
0x55: {  	_ =	shalt  }
0x56: {  	_ =	shalt  }
0x57: {  	_ =	shalt  }
0x58: {  	_ =	shalt  }
0x59: {  	_ =	shalt  }
0x5a: {  	_ =	shalt  }
0x5b: {  	_ =	shalt  }
0x5c: {  	_ =	shalt  }
0x5d: {  	_ =	shalt  }
0x5e: {  	_ =	shalt  }
0x5f: {  	_ =	shalt  }
0x60: {  	_ =	shalt  }
0x61: {  	_ =	shalt  }
0x62: {  	_ =	shalt  }
0x63: {  	_ =	shalt  }
0x64: {  	_ =	shalt  }
0x65: {  	_ =	shalt  }
0x66: {  	_ =	shalt  }
0x67: {  	_ =	shalt  }
0x68: {  	_ =	shalt  }
0x69: {  	_ =	shalt  }
0x6a: {  	_ =	shalt  }
0x6b: {  	_ =	shalt  }
0x6c: {  	_ =	shalt  }
0x6d: {  	_ =	shalt  }
0x6e: {  	_ =	shalt  }
0x6f: {  	_ =	shalt  }
0x70: {  	_ =	shalt  }
0x71: {  	_ =	shalt  }
0x72: {  	_ =	shalt  }
0x73: {  	_ =	shalt  }
0x74: {  	_ =	shalt  }
0x75: {  	_ =	shalt  }
0x76: {  	_ =	shalt  }
0x77: {  	_ =	shalt  }
0x78: {  	_ =	shalt  }
0x79: {  	_ =	shalt  }
0x7a: {  	_ =	shalt  }
0x7b: {  	_ =	shalt  }
0x7c: {  	_ =	shalt  }
0x7d: {  	_ =	shalt  }
0x7e: {  	_ =	shalt  }
0x7f: {  	_ =	shalt  }
0x80: {  	_ =	shalt  }
0x81: {  	_ =	shalt  }
0x82: {  	_ =	shalt  }
0x83: {  	_ =	shalt  }
0x84: {  	_ =	shalt  }
0x85: {  	_ =	shalt  }
0x86: {  	_ =	shalt  }
0x87: {  	_ =	shalt  }
.Lfunc_end0:
.L_simem_size_0:
called_computation.2_lowered:
.L_overlay_start_0:
0x88: {  	s2 =	sld [smem:$0x3FD9]  }
0x89: {  	s3 =	sld [smem:$0x3FFE];
	_ =	sdelay $0x1  }
0x8a: {  	s1 =	srdreg.scid  }
0x8b: {  	s0 =	sand.u32 $0x1, s1  }
0x8c: {  	s17 =	sshll.u32 s0, $0xA;
	s2 =	sadd.s32 s3, s2  }
0x8d: {  	s2 =	sadd.s32 s2, s17  }
0x8e: {  	[smem:$0x3FC5] =	sst s2  }
0x8f: {  	_ = 	snop  }
0x90: {  	s2 =	sld [smem:$0x3FC9]  }
0x91: {  	s18 =	sld [smem:$0x3FD0];
	(tm) =	ssettm $0x1  }
0x92: {  	s4 =	sld [smem:$0x3FFB];
	_ =	sdelay $0x3  }
0x93: {  	_ =	strace s4  }
0x94: {  	s4 =	sld [smem:$0x3FFC];
	_ =	sdelay $0x3  }
0x95: {  	_ =	strace s4  }
0x96: {  	s4 =	sld [smem:$0x3FFD];
	_ =	sdelay $0x3  }
0x97: {  	_ =	strace s4  }
0x98: {  	_ =	strace $0x8FFFFFFF  }
0x99: {  	s19 =	sld [smem:$0x3FDB];
	_ =	sdelay $0x1  }
0x9a: {  	s5 =	simm.s32 $_scs_section_size  }
0x9b: {  	s6 =	simm.s32 $_size__tile_overlayer_lowered;
	s7 =	simm.s32 $_tile_overlayer_lowered  }
0x9c: {  	s22 =	simm.s32 $0x1BFF;
	s21 =	sshll.u32 s7, $0x1;
	s4 =	sadd.s32 s5, s19  }
0x9d: {  	s8 =	simm.s32 $0x0;
	s20 =	sshll.u32 s6, $0x1;
	s6 =	sadd.s32 s21, s4  }
0x9e: {  	[timem:s8], [sflag:s22] =	dma.local [hbm:s6], s20  }
0x9f: {  	_ =	swait.ge [sflag:s22], s20  }
0xa0: {  	s5 =	ssub.s32 $0x0, s20;
	[sflag:s22] =	ssyncset.done $0x0  }
0xa1: {  	[sflag:s22] =	ssyncadd.s32 s5;
	_ =	sdelay $0x1  }
0xa2: {  	s23 =	simm.s32 $0x1B8B  }
0xa3: {  	_ =	swait.ge [sflag:s23], $0x1  }
0xa4: {  	[sflag:s23] =	ssyncset.done $0x0  }
0xa5: {  	s25 =	simm.s32 $0x1B8E;
	s24 =	sld [smem:$0x3FFE];
	[sflag:s23] =	ssyncadd.s32 $0xFFFFFFFF  }
0xa6: {  	s26 =	simm.s32 $execute0_lowered;
	[smem:$0x3FD2] =	sst s25  }
0xa7: {  	s6 =	sshll.u32 s26, $0x1;
	_ =	strace $0x8000004C;
	[dreg:$0x1] =	wrdreg $0xFFFFFFFF  }
0xa8: {  	s28 =	simm.s32 $_size_execute0_lowered;
	s4 =	sadd.s32 s4, s6;
	[dreg:$0x0] =	wrdreg $0x0  }
0xa9: {  	s6 =	sshll.u32 s28, $0x1;
	[dreg:$0x2] =	wrdreg s4  }
0xaa: {  	[dreg:$0x3] =	wrdreg s6  }
0xab: {  	[dreg:$0x4] =	wrdreg $0xC0  }
0xac: {  	_ =	task [dreg:s8], $0x5FFFF  }
0xad: {  	[dreg:$0x1] =	wrdreg $0xFFFFFFFF  }
0xae: {  	[dreg:$0x0] =	wrdreg $0x60  }
0xaf: {  	[dreg:$0x2] =	wrdreg s2  }
0xb0: {  	[dreg:$0x3] =	wrdreg s24  }
0xb1: {  	[dreg:$0x4] =	wrdreg s18  }
0xb2: {  	[dreg:$0x5] =	wrdreg $0x9  }
0xb3: {  	_ =	task.clear_ibuf [dreg:s8], $0x6FFFF;
	_ =	strace $0x9000004C  }
0xb4: {  	s29 =	simm.s32 $0x9;
	_ =	strace $0x8000004E  }
0xb5: {  	_ =	swait.ge [sflag:s29], $0x1  }
0xb6: {  	[sflag:s29] =	ssyncadd.s32 $0xFFFFFFFF  }
0xb7: {  	_ =	strace $0x9000004E  }
0xb8: {  	_ =	sfence  }
0xb9: {  	s30 =	sld [smem:$0x0];
	_ =	sdelay $0x2  }
0xba: {  	s31 =	sshll.u32 s1, $0xD;
	s1 =	sshrl.u32 s1, $0x2  }
0xbb: {  	s3 =	sand.u32 $0x4000, s31;
	s1 =	sadd.s32 s1, s30  }
0xbc: {  	s0 =	sor.u32 s3, s0;
	s1 =	sshll.u32 s1, $0x11  }
0xbd: {  	s0 =	sor.u32 s1, s0  }
0xbe: {  	s0 =	sadd.s32 $0x8F2B, s0  }
0xbf: {  	[sflag:s0] =	ssyncadd.remote.s32 $0x1  }
0xc0: {  	_ =	sfence.sel $0xFFFF  }
0xc1: {  	[dreg:$0x0] =	wrdreg $0xFFFFFFFF;
	(pc) =	sbr.abs _section_cstart, $3  }
0xc2: {  	[dreg:$0x1] =	wrdreg $0xFFFFFFFF  }
0xc3: {  	_ =	task.clear_ibuf [dreg:s8], $0x2FFFF;
	_ =	strace $0x9FFFFFFF  }
0xc4: {  	(tm) =	ssettm $0x7FFFFFFF  }
0xc5: {  	_ =	shalt  }
tec
execute0_lowered:
.L_overlay_start_1:
0x0: {  	(tag) =	ssettag $0x1  }
0x1: {  	s4 =	rddreg [dreg:$0x0]  }
0x2: {  	s5 =	rddreg [dreg:$0x1]  }
0x3: {  	s6 =	rddreg [dreg:$0x2]  }
0x4: {  	s0 =	rddreg [dreg:$0x3]  }
0x5: {  	s2 =	simm.s32 $0x0;
	s3 =	srdreg.scid;
	s1 =	stileid.u32  }
0x6: {  	s11 =	simm.s32 $0x5C00;
	s12 =	simm.s32 $0xE00;
	s13 =	simm.s32 $0x4000  }
0x7: {  	s14 =	simm.s32 $0x1;
	s15 =	simm.s32 $0x5E00;
	s16 =	simm.s32 $0x0  }
0x8: {  	[smem:$0x7FF] =	sst s2;
	s3 =	sand.u32 $0x1, s3;
	s8 =	sshll.u32 s1, $0xA  }
0x9: {  	_ =	strace $0x8000004D;
	s7 =	ssub.s32 $0x2, s3;
	s9 =	sshll.u32 s3, $0x9  }
0xa: {  	s3 =	sadd.s32 $0x800, s5;
	s10 =	sshrl.u32 s7, $0x1;
	s8 =	sor.u32 s9, s8  }
0xb: {  	s9 =	simm.s32 $0x20000;
	s4 =	sadd.s32 s4, s8;
	s8 =	sshrl.u32 s8, $0x3  }
0xc: {  	s7 =	ssub.s32 s7, s10;
	s10 =	simm.s32 $0x2;
	s5 =	sadd.s32 s5, s8  }
0xd: {  	s6 =	sadd.s32 s6, s8;
	s7 =	smax.u32 s7, $0x1;
	s8 =	simm.s32 $0x1000  }
.LBB2_1:
0xe: {  	[tilespmem:s2], [sflag:$0x2] =	stream.strided.gather [hbm4b:s4+s8], $0x4000, s9, s8, $0x38;
	[tilespmem:$0x6000] =	vst v63  }
0xf: {  	s17 =	simm.s32 $0x0  }
0x10: {  	s18 =	simm.s32 $0x2600;
	s19 =	simm.s32 $0x980;
	_ =	swait.ge [sflag:s10], $0x4000  }
0x11: {  	s22 =	simm.s32 $0x0;
	s31 =	sand.u32 $0x70, s2;
	[sflag:s10] =	ssyncset.done $0x0  }
0x12: {  	s18 =	sand.u32 $0x3000, s18;
	s17 =	sand.u32 $0xFFFFFC00, s17;
	[sflag:s10] =	ssyncadd.s32 $0xFFFFC000  }
0x13: {  	[tilespmem:s11], [sflag:$0x2] =	stream.linear.gather [hbm4b:s5+s2], $0x200, $0x38;
	[tilespmem:$0x6000] =	vst v63  }
0x14: {  	s19 =	sand.u32 $0x380, s19;
	s17 =	sadd.s32 s17, s18;
	_ =	swait.ge [sflag:s10], $0x200  }
0x15: {  	s21 =	simm.s32 $0x2;
	s17 =	sor.u32 s19, s17;
	[sflag:s10] =	ssyncset.done $0x0  }
0x16: {  	s20 =	simm.s32 $0x80;
	s18 =	sor.u32 s31, s17;
	[sflag:s10] =	ssyncadd.s32 $0xFFFFFE00  }
0x17: {  	s19 =	simm.s32 $0x0;
	s17 =	simm.s32 $0x0;
	v0 =	vld [tilespmem:s18+$0x0];
	s18 =	simm.s32 $0x0  }
.LBB2_2:
0x18: {  	p0 =	sne.s32 s21, $0xDF  }
0x19: {  	s23 =	sshll.u32 s17, $0xC;
	s24 =	sadd.s32 $0x13, s17;
	s22 =	smul.u32 $0x9C40, s22  }
0x1a: {  	s23 =	ssub.s32 s20, s23;
	s25 =	sshll.u32 s24, $0x9;
	s24 =	sshll.u32 s24, $0x7  }
.Ltmp0:
0x1b: {  	s25 =	sand.u32 $0x3000, s25;
	s23 =	sand.u32 $0xFFFFFC00, s23;
	(pc) =	sbr.rel @p0 .LBB2_2-.Ltmp0, $4  }
0x1c: {  	s18 =	sadd.s32 $0x10, s18;
	s24 =	sand.u32 $0x380, s24;
	s23 =	sadd.s32 s23, s25  }
0x1d: {  	s19 =	sand.u32 $0xFF0, s19;
	s25 =	sand.u32 $0x70, s18;
	s23 =	sor.u32 s24, s23;
	v0 =	vadd.s32 s22, v0  }
0x1e: {  	s22 =	smov.u32 s17;
	s23 =	sor.u32 s25, s23;
	[tilespmem:s19+$0x4000] =	vst v0;
	s19 =	smov.u32 s18  }
0x1f: {  	s20 =	sadd.s32 $0x80, s20;
	s17 =	sshrl.u32 s21, $0x5;
	s21 =	sadd.s32 $0x1, s21;
	v0 =	vld [tilespmem:s23+$0x0]  }
0x20: {  	s21 =	sshll.u32 s17, $0xC;
	s23 =	sadd.s32 $0x13, s17  }
0x21: {  	s22 =	smul.u32 $0x9C40, s22;
	s20 =	ssub.s32 s20, s21;
	s24 =	sshll.u32 s23, $0x9  }
0x22: {  	s23 =	sshll.u32 s23, $0x7;
	s21 =	sand.u32 $0x3000, s24;
	s20 =	sand.u32 $0xFFFFFC00, s20  }
0x23: {  	s18 =	sadd.s32 $0x10, s18;
	s23 =	sand.u32 $0x380, s23;
	s20 =	sadd.s32 s20, s21  }
0x24: {  	s19 =	sand.u32 $0xFF0, s19;
	s25 =	sand.u32 $0x70, s18;
	s20 =	sor.u32 s23, s20;
	v0 =	vadd.s32 s22, v0  }
0x25: {  	s20 =	sor.u32 s25, s20;
	[tilespmem:s19+$0x4000] =	vst v0  }
0x26: {  	v0 =	vld [tilespmem:s20+$0x0];
	_ =	sdelay $0x2  }
0x27: {  	s26 =	smul.u32 $0x9C40, s17;
	_ =	sdelay $0x1  }
0x28: {  	s28 =	sand.u32 $0xFF0, s18;
	v0 =	vadd.s32 s26, v0  }
0x29: {  	s29 =	simm.s32 $0x4E00;
	[tilespmem:s28+$0x4000] =	vst v0  }
0x2a: {  	[tilespmem:s29], [sflag:$0x1] =	stream.indirect.gather [hbm4b:s3+s12], $0x1, s13, s12, $0xb8;
	[tilespmem:$0x6000] =	vst v63  }
0x2b: {  	_ =	swait.ge [sflag:s14], $0xE00  }
0x2c: {  	[sflag:s14] =	ssyncset.done $0x0  }
0x2d: {  	[sflag:s14] =	ssyncadd.s32 $0xFFFFF200  }
0x2e: {  	s30 =	simm.s32 $0x5C00;
	v0 =	vld [tilespmem:s29+$0x0]  }
0x2f: {  	s31 =	simm.s32 $0x0;
	v1 =	vld [tilespmem:s30+$0x0]  }
0x30: {  	s17 =	sand.u32 $0x1F0, s31  }
0x31: {  	v2 =	vld [tilespmem:s17+$0x5000];
	_ =	sdelay $0x1  }
0x32: {  	v3 =	vld [tilespmem:s17+$0x5200]  }
0x33: {  	v0 =	vadd.f32 v0, v1  }
0x34: {  	v1 =	vld [tilespmem:s17+$0x5400]  }
0x35: {  	v0 =	vadd.f32 v2, v0  }
0x36: {  	v2 =	vld [tilespmem:s17+$0x5600]  }
0x37: {  	v0 =	vadd.f32 v3, v0  }
0x38: {  	v3 =	vld [tilespmem:s17+$0x5800]  }
0x39: {  	v0 =	vadd.f32 v1, v0  }
0x3a: {  	v1 =	vld [tilespmem:s17+$0x5A00]  }
0x3b: {  	v0 =	vadd.f32 v2, v0;
	_ =	sdelay $0x1  }
0x3c: {  	v0 =	vadd.f32 v3, v0;
	_ =	sdelay $0x1  }
0x3d: {  	v0 =	vadd.f32 v1, v0  }
0x3e: {  	s17 =	simm.s32 $0x5E00  }
0x3f: {  	s18 =	simm.s32 $0x4E10;
	[tilespmem:s17+$0x0] =	vst v0  }
0x40: {  	s19 =	simm.s32 $0x5C10;
	v0 =	vld [tilespmem:s18+$0x0]  }
0x41: {  	s21 =	simm.s32 $0x20;
	s20 =	simm.s32 $0x10;
	v1 =	vld [tilespmem:s19+$0x0]  }
.LBB2_4:
0x42: {  	p0 =	sne.s32 s21, $0x1F0;
	s22 =	sand.u32 $0x1F0, s20;
	s20 =	smov.u32 s21  }
0x43: {  	v2 =	vld [tilespmem:s22+$0x5000];
	_ =	sdelay $0x1  }
0x44: {  	v3 =	vld [tilespmem:s22+$0x5200]  }
0x45: {  	v0 =	vadd.f32 v0, v1  }
0x46: {  	v1 =	vld [tilespmem:s22+$0x5400]  }
0x47: {  	v0 =	vadd.f32 v2, v0  }
0x48: {  	v2 =	vld [tilespmem:s22+$0x5600]  }
0x49: {  	v0 =	vadd.f32 v3, v0  }
0x4a: {  	v3 =	vld [tilespmem:s22+$0x5800]  }
0x4b: {  	v0 =	vadd.f32 v1, v0  }
0x4c: {  	v1 =	vld [tilespmem:s22+$0x5A00]  }
0x4d: {  	v0 =	vadd.f32 v2, v0;
	_ =	sdelay $0x1  }
0x4e: {  	v0 =	vadd.f32 v3, v0;
	_ =	sdelay $0x1  }
.Ltmp1:
0x4f: {  	v0 =	vadd.f32 v1, v0;
	(pc) =	sbr.rel @p0 .LBB2_4-.Ltmp1, $4  }
0x50: {  	s17 =	sadd.s32 $0x10, s17  }
0x51: {  	s18 =	sadd.s32 $0x10, s18;
	[tilespmem:s17+$0x0] =	vst v0  }
0x52: {  	s19 =	sadd.s32 $0x10, s19;
	v0 =	vld [tilespmem:s18+$0x0]  }
0x53: {  	s21 =	sadd.s32 $0x10, s21;
	v1 =	vld [tilespmem:s19+$0x0]  }
0x54: {  	s18 =	sand.u32 $0x1F0, s20  }
0x55: {  	v2 =	vld [tilespmem:s18+$0x5000];
	_ =	sdelay $0x1  }
0x56: {  	v3 =	vld [tilespmem:s18+$0x5200]  }
0x57: {  	v0 =	vadd.f32 v0, v1  }
0x58: {  	v60 =	vld [tilespmem:s18+$0x5400]  }
0x59: {  	v0 =	vadd.f32 v2, v0  }
0x5a: {  	v61 =	vld [tilespmem:s18+$0x5600]  }
0x5b: {  	v0 =	vadd.f32 v3, v0  }
0x5c: {  	v62 =	vld [tilespmem:s18+$0x5800]  }
0x5d: {  	v0 =	vadd.f32 v60, v0  }
0x5e: {  	v63 =	vld [tilespmem:s18+$0x5A00]  }
0x5f: {  	v0 =	vadd.f32 v61, v0;
	_ =	sdelay $0x1  }
0x60: {  	v0 =	vadd.f32 v62, v0;
	_ =	sdelay $0x1  }
0x61: {  	s16 =	sadd.s32 $0x1, s16;
	v0 =	vadd.f32 v63, v0  }
0x62: {  	s17 =	sadd.s32 $0x10, s17;
	p0 =	sne.s32 s16, s7  }
.Ltmp2:
0x63: {  	[tilespmem:s17+$0x0] =	vst v0;
	(pc) =	sbr.rel @p0 .LBB2_1-.Ltmp2, $4  }
0x64: {  	[hbm4b:s6+s2] =	stream.linear.scatter [tilespmem:s15], [sflag:$0x2], $0x200, $0x38;
	[tilespmem:$0x6000] =	vst v63  }
0x65: {  	_ =	swait.ge [sflag:s10], $0x200  }
0x66: {  	[sflag:s10] =	ssyncset.done $0x0  }
0x67: {  	[sflag:s10] =	ssyncadd.s32 $0xFFFFFE00  }
0x68: {  	_ =	sfence.sel $0x180000  }
0x69: {  	[bflag:$0x0] =	sbarrier.arrive $0xFFFF  }
0x6a: {  	p0 =	sne.s32 s1, $0x0;
	_ =	strace $0x9000004D  }
0x6b: {  	s0 =	sadd.s32 @!p0 $0x100000, s0;
	[bflag:$0x2] =	sbarrier.arrive $0xFFFF  }
0x6c: {  	[sflag:s0] =	ssyncadd.tile.s32 @!p0 $0x1;
	_ =	shalt  }
.Lfunc_end2:
_tile_overlayer_lowered:
.L_overlay_start_2:
0x6d: {  	(tag) =	ssettag $0x2  }
0x6e: {  	s0 =	rddreg [dreg:$0x0];
	s2 =	stileid.u32  }
0x6f: {  	s1 =	rddreg [dreg:$0x1];
	p0 =	sne.s32 s2, $0x0  }
0x70: {  	s3 =	rddreg [dreg:$0x2];
	[bflag:$0x3] =	sbarrier.arrive $0xFFFF;
	s2 =	simm.s32 @!p0 $0x1C02  }
0x71: {  	[timem:s3], [sflag:s2] =	dma.local @!p0 [hbm:s0], s1  }
0x72: {  	s0 =	simm.s32 @!p0 $0x2  }
0x73: {  	_ =	swait.ge @!p0 [sflag:s0], s1  }
0x74: {  	s1 =	ssub.s32 @!p0 $0x0, s1;
	[sflag:s0] =	ssyncset.done @!p0 $0x0  }
0x75: {  	[sflag:s0] =	ssyncadd.s32 @!p0 s1  }
0x76: {  	[bflag:$0x3] =	sbarrier.arrive $0xFFFF  }
0x77: {  	_ =	shalt  }

// kernel: kernel.5.cloned.1.call-start
scs
__scs_entry_jumppad:
0x0: {  	(pc) =	sbr.rel $0x88, $3  }
0x1: {  	(tag) =	ssettag $0x0;
	lr =	simm.s32 $0x1  }
0x2: {  	[smem:$0x3F9E] =	sst lr;
	_ =	strace $0xD0000000  }
0x3: {  	_ = 	snop  }
0x4: {  	_ = 	snop  }
0x5: {  	_ = 	snop  }
0x6: {  	_ = 	snop  }
0x7: {  	_ = 	snop  }
__scs_overlays_trampoline_lowered:
0x8: {  	[smem:$0x3FAD] =	sst s0  }
0x9: {  	[smem:$0x3FAE] =	sst s1  }
0xa: {  	[smem:$0x3FAF] =	sst s2  }
0xb: {  	[smem:$0x3FB0] =	sst s3  }
0xc: {  	[smem:$0x3FB1] =	sst s4  }
0xd: {  	[smem:$0x3FB2] =	sst s5  }
0xe: {  	[smem:$0x3FB3] =	sst s6  }
0xf: {  	[smem:$0x3FB4] =	sst s7  }
0x10: {  	[smem:$0x3FB5] =	sst s8  }
0x11: {  	[smem:$0x3FB6] =	sst s9;
	s0 =	simm.s32 @!p0 $0x0  }
0x12: {  	s1 =	sld [smem:$0x3F9C];
	s0 =	simm.s32 @p0 $0x1  }
0x13: {  	[smem:$0x3FB7] =	sst s0;
	s0 =	simm.s32 @!p1 $0x0  }
0x14: {  	s2 =	sld [smem:$0x3F9B];
	s0 =	simm.s32 @p1 $0x1  }
0x15: {  	[smem:$0x3FB8] =	sst s0;
	s0 =	simm.s32 @!p2 $0x0  }
0x16: {  	s3 =	sld [smem:$0x3FDB];
	s0 =	simm.s32 @p2 $0x1  }
0x17: {  	s4 =	simm.s32 $0x1BF5;
	[smem:$0x3FBA] =	sst s0  }
0x18: {  	s0 =	sld [smem:$0x3F9D];
	_ =	swait.ge [sflag:s4], $0x0  }
0x19: {  	s7 =	sld [smem:$0x3F9E]  }
0x1a: {  	s8 =	sadd.s32 $0xFFFFE003, lr  }
0x1b: {  	s9 =	sadd.s32 $0xFFFFFEF7, lr;
	s5 =	simm.s32 $0xFFFFFFFF;
	p2 =	slt.u32 s8, $0xFFFFF086  }
0x1c: {  	p1 =	slt.u32 s9, $0xF7A;
	s5 =	simm.s32 @!p2 $0x0  }
0x1d: {  	s5 =	simm.s32 @p1 $0x1;
	p0 =	seq.s32 s7, s2  }
0x1e: {  	s7 =	smul.u32 @!p0 $0xF7A, s2;
	p2 =	seq.s32 @!p0 s5, $0x0  }
0x1f: {  	s9 =	smul.u32 $0xF7A, s1;
	s8 =	simm.s32 @!p0 $0x1BF5;
	p2 =	por !p2, p0  }
0x20: {  	[sflag:s8] =	ssyncset.s32 @!p0 $0xFFFFF086;
	s6 =	sadd.s32 @!p0 s3, s7;
	s7 =	simm.s32 @!p0 $0x108  }
0x21: {  	s3 =	sadd.s32 s3, s9;
	s6 =	sadd.s32 @!p0 $0x88, s6;
	s7 =	simm.s32 @p2 $0x1082  }
0x22: {  	[simem:s7], [sflag:s8] =	dma.local @!p0 [hbm:s6], $0xF7A  }
0x23: {  	s9 =	sor.u32 $0xD0000000, s2;
	s6 =	simm.s32 $0x108;
	_ =	swait.ge @!p0 [sflag:s8], $0x0  }
0x24: {  	s3 =	sadd.s32 $0x88, s3;
	s6 =	simm.s32 @!p1 $0x1082;
	[sflag:s4] =	ssyncset.s32 $0xFFFFF086  }
0x25: {  	[simem:s6], [sflag:s4] =	dma.local [hbm:s3], $0xF7A  }
0x26: {  	[smem:$0x3F9E] =	sst s1;
	(tag) =	ssettag s2;
	_ =	strace s9  }
0x27: {  	s1 =	sld [smem:$0x3FAE]  }
0x28: {  	s2 =	sld [smem:$0x3FAF]  }
0x29: {  	s4 =	sld [smem:$0x3FB1]  }
0x2a: {  	p0 =	seq.s32 s5, $0x0;
	s5 =	sld [smem:$0x3FB2]  }
0x2b: {  	s6 =	sld [smem:$0x3FB3]  }
0x2c: {  	s7 =	sld [smem:$0x3FB4]  }
0x2d: {  	s3 =	simm.s32 $0x108;
	s8 =	sld [smem:$0x3FB5]  }
0x2e: {  	s3 =	simm.s32 @!p0 $0x1082;
	s9 =	sld [smem:$0x3FB6]  }
0x2f: {  	lr =	sadd.s32 s0, s3;
	s0 =	sld [smem:$0x3FAD]  }
0x30: {  	s3 =	sld [smem:$0x3FB0]  }
0x31: {  	[smem:$0x3FB9] =	sst s10  }
0x32: {  	s10 =	sld [smem:$0x3FB7];
	_ =	sdelay $0x3  }
0x33: {  	p0 =	seq.s32 s10, $0x1;
	s10 =	sld [smem:$0x3FB9];
	_ =	sdelay $0x3  }
0x34: {  	[smem:$0x3FB9] =	sst s10  }
0x35: {  	s10 =	sld [smem:$0x3FB8];
	_ =	sdelay $0x3  }
0x36: {  	p1 =	seq.s32 s10, $0x1;
	s10 =	sld [smem:$0x3FB9];
	_ =	sdelay $0x3  }
0x37: {  	[smem:$0x3FB9] =	sst s10  }
0x38: {  	s10 =	sld [smem:$0x3FBA]  }
0x39: {  	_ = 	snop;
	(pc) =	sbr.ind lr, $3  }
0x3a: {  	_ = 	snop  }
0x3b: {  	_ = 	snop  }
0x3c: {  	p2 =	seq.s32 s10, $0x1;
	s10 =	sld [smem:$0x3FB9]  }
0x3d: {  	_ =	shalt  }
0x3e: {  	_ =	shalt  }
0x3f: {  	_ =	shalt  }
0x40: {  	_ =	shalt  }
0x41: {  	_ =	shalt  }
0x42: {  	_ =	shalt  }
0x43: {  	_ =	shalt  }
0x44: {  	_ =	shalt  }
0x45: {  	_ =	shalt  }
0x46: {  	_ =	shalt  }
0x47: {  	_ =	shalt  }
0x48: {  	_ =	shalt  }
0x49: {  	_ =	shalt  }
0x4a: {  	_ =	shalt  }
0x4b: {  	_ =	shalt  }
0x4c: {  	_ =	shalt  }
0x4d: {  	_ =	shalt  }
0x4e: {  	_ =	shalt  }
0x4f: {  	_ =	shalt  }
0x50: {  	_ =	shalt  }
0x51: {  	_ =	shalt  }
0x52: {  	_ =	shalt  }
0x53: {  	_ =	shalt  }
0x54: {  	_ =	shalt  }
0x55: {  	_ =	shalt  }
0x56: {  	_ =	shalt  }
0x57: {  	_ =	shalt  }
0x58: {  	_ =	shalt  }
0x59: {  	_ =	shalt  }
0x5a: {  	_ =	shalt  }
0x5b: {  	_ =	shalt  }
0x5c: {  	_ =	shalt  }
0x5d: {  	_ =	shalt  }
0x5e: {  	_ =	shalt  }
0x5f: {  	_ =	shalt  }
0x60: {  	_ =	shalt  }
0x61: {  	_ =	shalt  }
0x62: {  	_ =	shalt  }
0x63: {  	_ =	shalt  }
0x64: {  	_ =	shalt  }
0x65: {  	_ =	shalt  }
0x66: {  	_ =	shalt  }
0x67: {  	_ =	shalt  }
0x68: {  	_ =	shalt  }
0x69: {  	_ =	shalt  }
0x6a: {  	_ =	shalt  }
0x6b: {  	_ =	shalt  }
0x6c: {  	_ =	shalt  }
0x6d: {  	_ =	shalt  }
0x6e: {  	_ =	shalt  }
0x6f: {  	_ =	shalt  }
0x70: {  	_ =	shalt  }
0x71: {  	_ =	shalt  }
0x72: {  	_ =	shalt  }
0x73: {  	_ =	shalt  }
0x74: {  	_ =	shalt  }
0x75: {  	_ =	shalt  }
0x76: {  	_ =	shalt  }
0x77: {  	_ =	shalt  }
0x78: {  	_ =	shalt  }
0x79: {  	_ =	shalt  }
0x7a: {  	_ =	shalt  }
0x7b: {  	_ =	shalt  }
0x7c: {  	_ =	shalt  }
0x7d: {  	_ =	shalt  }
0x7e: {  	_ =	shalt  }
0x7f: {  	_ =	shalt  }
0x80: {  	_ =	shalt  }
0x81: {  	_ =	shalt  }
0x82: {  	_ =	shalt  }
0x83: {  	_ =	shalt  }
0x84: {  	_ =	shalt  }
0x85: {  	_ =	shalt  }
0x86: {  	_ =	shalt  }
0x87: {  	_ =	shalt  }
.Lfunc_end0:
.L_simem_size_0:
called_computation_lowered:
.L_overlay_start_0:
0x88: {  	s2 =	sld [smem:$0x3FD9]  }
0x89: {  	s3 =	sld [smem:$0x3FFE];
	_ =	sdelay $0x1  }
0x8a: {  	s1 =	srdreg.scid  }
0x8b: {  	s0 =	sand.u32 $0x1, s1  }
0x8c: {  	s17 =	sshll.u32 s0, $0xA;
	s2 =	sadd.s32 s3, s2  }
0x8d: {  	s2 =	sadd.s32 s2, s17  }
0x8e: {  	[smem:$0x3FC5] =	sst s2  }
0x8f: {  	_ = 	snop  }
0x90: {  	s2 =	sld [smem:$0x3FC9]  }
0x91: {  	s18 =	sld [smem:$0x3FC7]  }
0x92: {  	s4 =	sld [smem:$0x3FD0];
	(tm) =	ssettm $0x1  }
0x93: {  	s5 =	sld [smem:$0x3FFB];
	_ =	sdelay $0x3  }
0x94: {  	_ =	strace s5  }
0x95: {  	s5 =	sld [smem:$0x3FFC];
	_ =	sdelay $0x3  }
0x96: {  	_ =	strace s5  }
0x97: {  	s5 =	sld [smem:$0x3FFD];
	_ =	sdelay $0x3  }
0x98: {  	_ =	strace s5  }
0x99: {  	_ =	strace $0x8FFFFFFF  }
0x9a: {  	s19 =	sld [smem:$0x3FDB];
	_ =	sdelay $0x1  }
0x9b: {  	s6 =	simm.s32 $_scs_section_size  }
0x9c: {  	s7 =	simm.s32 $_size__tile_overlayer_lowered;
	s8 =	simm.s32 $_tile_overlayer_lowered  }
0x9d: {  	s22 =	simm.s32 $0x1BFF;
	s21 =	sshll.u32 s8, $0x1;
	s5 =	sadd.s32 s6, s19  }
0x9e: {  	s9 =	simm.s32 $0x0;
	s20 =	sshll.u32 s7, $0x1;
	s7 =	sadd.s32 s21, s5  }
0x9f: {  	[timem:s9], [sflag:s22] =	dma.local [hbm:s7], s20  }
0xa0: {  	_ =	swait.ge [sflag:s22], s20  }
0xa1: {  	s6 =	ssub.s32 $0x0, s20;
	[sflag:s22] =	ssyncset.done $0x0  }
0xa2: {  	[sflag:s22] =	ssyncadd.s32 s6;
	_ =	sdelay $0x1  }
0xa3: {  	s23 =	simm.s32 $0x1B8B  }
0xa4: {  	_ =	swait.ge [sflag:s23], $0x1  }
0xa5: {  	[sflag:s23] =	ssyncset.done $0x0  }
0xa6: {  	s25 =	simm.s32 $0x1B8E;
	s24 =	sld [smem:$0x3FFE];
	[sflag:s23] =	ssyncadd.s32 $0xFFFFFFFF  }
0xa7: {  	s26 =	simm.s32 $execute0_lowered;
	[smem:$0x3FD2] =	sst s25  }
0xa8: {  	s7 =	sshll.u32 s26, $0x1;
	_ =	strace $0x80000046;
	[dreg:$0x1] =	wrdreg $0xFFFFFFFF  }
0xa9: {  	s28 =	simm.s32 $_size_execute0_lowered;
	s5 =	sadd.s32 s5, s7;
	[dreg:$0x0] =	wrdreg $0x0  }
0xaa: {  	s7 =	sshll.u32 s28, $0x1;
	[dreg:$0x2] =	wrdreg s5  }
0xab: {  	[dreg:$0x3] =	wrdreg s7  }
0xac: {  	[dreg:$0x4] =	wrdreg $0xC0  }
0xad: {  	_ =	task [dreg:s9], $0x5FFFF  }
0xae: {  	[dreg:$0x1] =	wrdreg $0xFFFFFFFF  }
0xaf: {  	[dreg:$0x0] =	wrdreg $0x60  }
0xb0: {  	[dreg:$0x2] =	wrdreg s2  }
0xb1: {  	[dreg:$0x3] =	wrdreg s24  }
0xb2: {  	[dreg:$0x4] =	wrdreg s18  }
0xb3: {  	[dreg:$0x5] =	wrdreg s4  }
0xb4: {  	[dreg:$0x6] =	wrdreg $0x9  }
0xb5: {  	_ =	task.clear_ibuf [dreg:s9], $0x7FFFF;
	_ =	strace $0x90000046  }
0xb6: {  	s29 =	simm.s32 $0x9;
	_ =	strace $0x80000048  }
0xb7: {  	_ =	swait.ge [sflag:s29], $0x1  }
0xb8: {  	[sflag:s29] =	ssyncadd.s32 $0xFFFFFFFF  }
0xb9: {  	_ =	strace $0x90000048  }
0xba: {  	_ =	sfence  }
0xbb: {  	s30 =	sld [smem:$0x0];
	_ =	sdelay $0x2  }
0xbc: {  	s31 =	sshll.u32 s1, $0xD;
	s1 =	sshrl.u32 s1, $0x2  }
0xbd: {  	s3 =	sand.u32 $0x4000, s31;
	s1 =	sadd.s32 s1, s30  }
0xbe: {  	s0 =	sor.u32 s3, s0;
	s1 =	sshll.u32 s1, $0x11  }
0xbf: {  	s0 =	sor.u32 s1, s0  }
0xc0: {  	s0 =	sadd.s32 $0x8F2B, s0  }
0xc1: {  	[sflag:s0] =	ssyncadd.remote.s32 $0x1  }
0xc2: {  	_ =	sfence.sel $0xFFFF  }
0xc3: {  	[dreg:$0x0] =	wrdreg $0xFFFFFFFF;
	(pc) =	sbr.abs _section_cstart, $3  }
0xc4: {  	[dreg:$0x1] =	wrdreg $0xFFFFFFFF  }
0xc5: {  	_ =	task.clear_ibuf [dreg:s9], $0x2FFFF;
	_ =	strace $0x9FFFFFFF  }
0xc6: {  	(tm) =	ssettm $0x7FFFFFFF  }
0xc7: {  	_ =	shalt  }
tec
execute0_lowered:
.L_overlay_start_1:
0x0: {  	(tag) =	ssettag $0x1  }
0x1: {  	s5 =	rddreg [dreg:$0x0]  }
0x2: {  	s1 =	rddreg [dreg:$0x1]  }
0x3: {  	s2 =	rddreg [dreg:$0x2]  }
0x4: {  	s6 =	rddreg [dreg:$0x3]  }
0x5: {  	s0 =	rddreg [dreg:$0x4];
	s7 =	srdreg.scid  }
0x6: {  	s4 =	simm.s32 $0x0;
	s3 =	stileid.u32;
	s11 =	simm.s32 $0x6400  }
0x7: {  	s12 =	simm.s32 $0x1200;
	s13 =	simm.s32 $0x4000;
	s14 =	simm.s32 $0x1  }
0x8: {  	s15 =	simm.s32 $0x6480;
	s16 =	simm.s32 $0x0;
	s7 =	sand.u32 $0x1, s7  }
0x9: {  	s9 =	sshll.u32 s3, $0xA;
	s8 =	ssub.s32 $0x2, s7;
	s7 =	sshll.u32 s7, $0x9  }
0xa: {  	[smem:$0x7FF] =	sst s4;
	s10 =	sshrl.u32 s8, $0x1;
	s7 =	sor.u32 s7, s9  }
0xb: {  	_ =	strace $0x80000047;
	s8 =	ssub.s32 s8, s10;
	s9 =	sshrl.u32 s7, $0x3  }
0xc: {  	s5 =	sadd.s32 s5, s7;
	s10 =	simm.s32 $0x2;
	s6 =	sadd.s32 s6, s9  }
0xd: {  	s7 =	smax.u32 s8, $0x1;
	s8 =	simm.s32 $0x1000;
	s9 =	simm.s32 $0x20000  }
.LBB2_1:
0xe: {  	[tilespmem:s4], [sflag:$0x2] =	stream.strided.gather [hbm4b:s5+s8], $0x4000, s9, s8, $0x38;
	[tilespmem:$0x6680] =	vst v63  }
0xf: {  	s17 =	simm.s32 $0x0;
	s18 =	simm.s32 $0x0  }
0x10: {  	s19 =	simm.s32 $0x0;
	s20 =	simm.s32 $0x0;
	_ =	swait.ge [sflag:s10], $0x4000  }
0x11: {  	s23 =	simm.s32 $0x1;
	s31 =	sand.u32 $0x70, s4;
	[sflag:s10] =	ssyncset.done $0x0  }
0x12: {  	s18 =	sand.u32 $0x1000, s18;
	s17 =	sand.u32 $0xFFFFFC00, s17;
	[sflag:s10] =	ssyncadd.s32 $0xFFFFC000  }
0x13: {  	[tilespmem:s11], [sflag:$0x2] =	stream.linear.gather [hbm4b:s2+s4], $0x1, $0x38;
	[tilespmem:$0x6680] =	vst v63  }
0x14: {  	s19 =	sand.u32 $0x380, s19;
	s17 =	sadd.s32 s17, s18;
	_ =	swait.ge [sflag:s10], $0x1  }
0x15: {  	s22 =	simm.s32 $0x2;
	s17 =	sor.u32 s19, s17;
	[sflag:s10] =	ssyncset.done $0x0  }
0x16: {  	s21 =	simm.s32 $0x0;
	s18 =	sor.u32 s31, s17;
	[sflag:s10] =	ssyncadd.s32 $0xFFFFFFFF  }
0x17: {  	s19 =	simm.s32 $0x0;
	s17 =	simm.s32 $0x0;
	v0 =	vld [tilespmem:s18+$0x0];
	s18 =	simm.s32 $0x0  }
.LBB2_2:
0x18: {  	p0 =	sne.s32 s22, $0x11F  }
0x19: {  	s24 =	sshll.u32 s17, $0xC;
	s21 =	sadd.s32 $0x80, s21;
	s25 =	sshll.u32 s23, $0x4  }
0x1a: {  	s23 =	sshll.u32 s23, $0x2;
	s20 =	smul.u32 $0x9C40, s20;
	s24 =	ssub.s32 s21, s24  }
.Ltmp0:
0x1b: {  	s25 =	sand.u32 $0x1000, s25;
	s24 =	sand.u32 $0xFFFFFC00, s24;
	(pc) =	sbr.rel @p0 .LBB2_2-.Ltmp0, $4  }
0x1c: {  	s18 =	sadd.s32 $0x10, s18;
	s23 =	sand.u32 $0x380, s23;
	s24 =	sadd.s32 s24, s25  }
0x1d: {  	s19 =	sand.u32 $0x1FF0, s19;
	s25 =	sand.u32 $0x70, s18;
	s23 =	sor.u32 s23, s24;
	v0 =	vadd.s32 s20, v0  }
0x1e: {  	s20 =	smov.u32 s17;
	s23 =	sor.u32 s25, s23;
	[tilespmem:s19+$0x4000] =	vst v0;
	s19 =	smov.u32 s18  }
0x1f: {  	s17 =	sshrl.u32 s22, $0x5;
	v0 =	vld [tilespmem:s23+$0x0];
	s23 =	smov.u32 s22;
	s22 =	sadd.s32 $0x1, s22  }
0x20: {  	s22 =	sshll.u32 s17, $0xC;
	s21 =	sadd.s32 $0x80, s21  }
0x21: {  	s30 =	sshll.u32 s23, $0x4;
	s31 =	sshll.u32 s23, $0x2;
	s21 =	ssub.s32 s21, s22  }
0x22: {  	s20 =	smul.u32 $0x9C40, s20;
	s22 =	sand.u32 $0x1000, s30;
	s21 =	sand.u32 $0xFFFFFC00, s21  }
0x23: {  	s18 =	sadd.s32 $0x10, s18;
	s23 =	sand.u32 $0x380, s31;
	s21 =	sadd.s32 s21, s22  }
0x24: {  	s19 =	sand.u32 $0x1FF0, s19;
	s24 =	sand.u32 $0x70, s18;
	s21 =	sor.u32 s23, s21;
	v0 =	vadd.s32 s20, v0  }
0x25: {  	s25 =	sor.u32 s24, s21;
	[tilespmem:s19+$0x4000] =	vst v0  }
0x26: {  	v0 =	vld [tilespmem:s25+$0x0];
	_ =	sdelay $0x2  }
0x27: {  	s26 =	smul.u32 $0x9C40, s17;
	_ =	sdelay $0x1  }
0x28: {  	s28 =	sand.u32 $0x1FF0, s18;
	v0 =	vadd.s32 s26, v0  }
0x29: {  	s29 =	simm.s32 $0x5200;
	[tilespmem:s28+$0x4000] =	vst v0  }
0x2a: {  	[tilespmem:s29], [sflag:$0x1] =	stream.indirect.gather [hbm4b:s1+s12], $0x1, s13, s12, $0xb8;
	[tilespmem:$0x6680] =	vst v63  }
0x2b: {  	_ =	swait.ge [sflag:s14], $0x1200  }
0x2c: {  	[sflag:s14] =	ssyncset.done $0x0  }
0x2d: {  	[sflag:s14] =	ssyncadd.s32 $0xFFFFEE00  }
0x2e: {  	v0 =	vld.msk [tilespmem:$0x6400 ss:$0x0], $0xffff  }
0x2f: {  	s30 =	simm.s32 $0x0;
	v1 =	vld [tilespmem:s29+$0x0]  }
0x30: {  	s31 =	sand.u32 $0x1F0, s30  }
0x31: {  	v2 =	vld [tilespmem:s31+$0x5400];
	_ =	sdelay $0x1  }
0x32: {  	v3 =	vld [tilespmem:s31+$0x5600]  }
0x33: {  	v1 =	vadd.f32 v1, v0  }
0x34: {  	v4 =	vld [tilespmem:s31+$0x5800]  }
0x35: {  	v1 =	vadd.f32 v2, v1  }
0x36: {  	v2 =	vld [tilespmem:s31+$0x5A00]  }
0x37: {  	v1 =	vadd.f32 v3, v1  }
0x38: {  	v3 =	vld [tilespmem:s31+$0x5C00]  }
0x39: {  	v1 =	vadd.f32 v4, v1  }
0x3a: {  	v63 =	vld [tilespmem:s31+$0x5E00]  }
0x3b: {  	v1 =	vadd.f32 v2, v1  }
0x3c: {  	v2 =	vld [tilespmem:s31+$0x6000]  }
0x3d: {  	v1 =	vadd.f32 v3, v1  }
0x3e: {  	v3 =	vld [tilespmem:s31+$0x6200]  }
0x3f: {  	v1 =	vadd.f32 v63, v1;
	_ =	sdelay $0x1  }
0x40: {  	v1 =	vadd.f32 v2, v1;
	_ =	sdelay $0x1  }
0x41: {  	v1 =	vadd.f32 v3, v1  }
0x42: {  	s17 =	simm.s32 $0x6480  }
0x43: {  	s18 =	simm.s32 $0x5210;
	[tilespmem:s17+$0x0] =	vst v1  }
0x44: {  	s20 =	simm.s32 $0x20;
	s19 =	simm.s32 $0x10;
	v1 =	vld [tilespmem:s18+$0x0]  }
.LBB2_4:
0x45: {  	p0 =	sne.s32 s20, $0x1F0;
	s21 =	sand.u32 $0x1F0, s19;
	s19 =	smov.u32 s20  }
0x46: {  	v2 =	vld [tilespmem:s21+$0x5400];
	_ =	sdelay $0x1  }
0x47: {  	v3 =	vld [tilespmem:s21+$0x5600]  }
0x48: {  	v1 =	vadd.f32 v1, v0  }
0x49: {  	v4 =	vld [tilespmem:s21+$0x5800]  }
0x4a: {  	v1 =	vadd.f32 v2, v1  }
0x4b: {  	v2 =	vld [tilespmem:s21+$0x5A00]  }
0x4c: {  	v1 =	vadd.f32 v3, v1  }
0x4d: {  	v3 =	vld [tilespmem:s21+$0x5C00]  }
0x4e: {  	v1 =	vadd.f32 v4, v1  }
0x4f: {  	v4 =	vld [tilespmem:s21+$0x5E00]  }
0x50: {  	v1 =	vadd.f32 v2, v1  }
0x51: {  	v2 =	vld [tilespmem:s21+$0x6000]  }
0x52: {  	v1 =	vadd.f32 v3, v1  }
0x53: {  	v3 =	vld [tilespmem:s21+$0x6200]  }
0x54: {  	v1 =	vadd.f32 v4, v1;
	_ =	sdelay $0x1  }
0x55: {  	v1 =	vadd.f32 v2, v1  }
.Ltmp1:
0x56: {  	(pc) =	sbr.rel @p0 .LBB2_4-.Ltmp1, $4  }
0x57: {  	v1 =	vadd.f32 v3, v1  }
0x58: {  	s17 =	sadd.s32 $0x10, s17  }
0x59: {  	s18 =	sadd.s32 $0x10, s18;
	[tilespmem:s17+$0x0] =	vst v1  }
0x5a: {  	s20 =	sadd.s32 $0x10, s20;
	v1 =	vld [tilespmem:s18+$0x0]  }
0x5b: {  	s18 =	sand.u32 $0x1F0, s19  }
0x5c: {  	v2 =	vld [tilespmem:s18+$0x5400];
	_ =	sdelay $0x1  }
0x5d: {  	v3 =	vld [tilespmem:s18+$0x5600]  }
0x5e: {  	v0 =	vadd.f32 v1, v0  }
0x5f: {  	v58 =	vld [tilespmem:s18+$0x5800]  }
0x60: {  	v0 =	vadd.f32 v2, v0  }
0x61: {  	v59 =	vld [tilespmem:s18+$0x5A00]  }
0x62: {  	v0 =	vadd.f32 v3, v0  }
0x63: {  	v60 =	vld [tilespmem:s18+$0x5C00]  }
0x64: {  	v0 =	vadd.f32 v58, v0  }
0x65: {  	v61 =	vld [tilespmem:s18+$0x5E00]  }
0x66: {  	v0 =	vadd.f32 v59, v0  }
0x67: {  	v62 =	vld [tilespmem:s18+$0x6000]  }
0x68: {  	v0 =	vadd.f32 v60, v0  }
0x69: {  	v63 =	vld [tilespmem:s18+$0x6200]  }
0x6a: {  	v0 =	vadd.f32 v61, v0;
	_ =	sdelay $0x1  }
0x6b: {  	v0 =	vadd.f32 v62, v0;
	_ =	sdelay $0x1  }
0x6c: {  	s16 =	sadd.s32 $0x1, s16;
	v0 =	vadd.f32 v63, v0  }
0x6d: {  	s17 =	sadd.s32 $0x10, s17;
	p0 =	sne.s32 s16, s7  }
.Ltmp2:
0x6e: {  	[tilespmem:s17+$0x0] =	vst v0;
	(pc) =	sbr.rel @p0 .LBB2_1-.Ltmp2, $4  }
0x6f: {  	[hbm4b:s6+s4] =	stream.linear.scatter [tilespmem:s15], [sflag:$0x2], $0x200, $0x38;
	[tilespmem:$0x6680] =	vst v63  }
0x70: {  	_ =	swait.ge [sflag:s10], $0x200  }
0x71: {  	[sflag:s10] =	ssyncset.done $0x0  }
0x72: {  	[sflag:s10] =	ssyncadd.s32 $0xFFFFFE00  }
0x73: {  	_ =	sfence.sel $0x180000  }
0x74: {  	[bflag:$0x0] =	sbarrier.arrive $0xFFFF  }
0x75: {  	p0 =	sne.s32 s3, $0x0;
	_ =	strace $0x90000047  }
0x76: {  	s0 =	sadd.s32 @!p0 $0x100000, s0;
	[bflag:$0x2] =	sbarrier.arrive $0xFFFF  }
0x77: {  	[sflag:s0] =	ssyncadd.tile.s32 @!p0 $0x1;
	_ =	shalt  }
.Lfunc_end2:
_tile_overlayer_lowered:
.L_overlay_start_2:
0x78: {  	(tag) =	ssettag $0x2  }
0x79: {  	s0 =	rddreg [dreg:$0x0];
	s2 =	stileid.u32  }
0x7a: {  	s1 =	rddreg [dreg:$0x1];
	p0 =	sne.s32 s2, $0x0  }
0x7b: {  	s3 =	rddreg [dreg:$0x2];
	[bflag:$0x3] =	sbarrier.arrive $0xFFFF;
	s2 =	simm.s32 @!p0 $0x1C02  }
0x7c: {  	[timem:s3], [sflag:s2] =	dma.local @!p0 [hbm:s0], s1  }
0x7d: {  	s0 =	simm.s32 @!p0 $0x2  }
0x7e: {  	_ =	swait.ge @!p0 [sflag:s0], s1  }
0x7f: {  	s1 =	ssub.s32 @!p0 $0x0, s1;
	[sflag:s0] =	ssyncset.done @!p0 $0x0  }
0x80: {  	[sflag:s0] =	ssyncadd.s32 @!p0 s1  }
0x81: {  	[bflag:$0x3] =	sbarrier.arrive $0xFFFF  }
0x82: {  	_ =	shalt  }

// kernel: kernel.8.cloned.1.call-start
scs
__scs_entry_jumppad:
0x0: {  	(pc) =	sbr.rel $0x88, $3  }
0x1: {  	(tag) =	ssettag $0x0;
	lr =	simm.s32 $0x1  }
0x2: {  	[smem:$0x3F9E] =	sst lr;
	_ =	strace $0xD0000000  }
0x3: {  	_ = 	snop  }
0x4: {  	_ = 	snop  }
0x5: {  	_ = 	snop  }
0x6: {  	_ = 	snop  }
0x7: {  	_ = 	snop  }
__scs_overlays_trampoline_lowered:
0x8: {  	[smem:$0x3FAD] =	sst s0  }
0x9: {  	[smem:$0x3FAE] =	sst s1  }
0xa: {  	[smem:$0x3FAF] =	sst s2  }
0xb: {  	[smem:$0x3FB0] =	sst s3  }
0xc: {  	[smem:$0x3FB1] =	sst s4  }
0xd: {  	[smem:$0x3FB2] =	sst s5  }
0xe: {  	[smem:$0x3FB3] =	sst s6  }
0xf: {  	[smem:$0x3FB4] =	sst s7  }
0x10: {  	[smem:$0x3FB5] =	sst s8  }
0x11: {  	[smem:$0x3FB6] =	sst s9;
	s0 =	simm.s32 @!p0 $0x0  }
0x12: {  	s1 =	sld [smem:$0x3F9C];
	s0 =	simm.s32 @p0 $0x1  }
0x13: {  	[smem:$0x3FB7] =	sst s0;
	s0 =	simm.s32 @!p1 $0x0  }
0x14: {  	s2 =	sld [smem:$0x3F9B];
	s0 =	simm.s32 @p1 $0x1  }
0x15: {  	[smem:$0x3FB8] =	sst s0;
	s0 =	simm.s32 @!p2 $0x0  }
0x16: {  	s3 =	sld [smem:$0x3FDB];
	s0 =	simm.s32 @p2 $0x1  }
0x17: {  	s4 =	simm.s32 $0x1BF5;
	[smem:$0x3FBA] =	sst s0  }
0x18: {  	s0 =	sld [smem:$0x3F9D];
	_ =	swait.ge [sflag:s4], $0x0  }
0x19: {  	s7 =	sld [smem:$0x3F9E]  }
0x1a: {  	s8 =	sadd.s32 $0xFFFFE003, lr  }
0x1b: {  	s9 =	sadd.s32 $0xFFFFFEF7, lr;
	s5 =	simm.s32 $0xFFFFFFFF;
	p2 =	slt.u32 s8, $0xFFFFF086  }
0x1c: {  	p1 =	slt.u32 s9, $0xF7A;
	s5 =	simm.s32 @!p2 $0x0  }
0x1d: {  	s5 =	simm.s32 @p1 $0x1;
	p0 =	seq.s32 s7, s2  }
0x1e: {  	s7 =	smul.u32 @!p0 $0xF7A, s2;
	p2 =	seq.s32 @!p0 s5, $0x0  }
0x1f: {  	s9 =	smul.u32 $0xF7A, s1;
	s8 =	simm.s32 @!p0 $0x1BF5;
	p2 =	por !p2, p0  }
0x20: {  	[sflag:s8] =	ssyncset.s32 @!p0 $0xFFFFF086;
	s6 =	sadd.s32 @!p0 s3, s7;
	s7 =	simm.s32 @!p0 $0x108  }
0x21: {  	s3 =	sadd.s32 s3, s9;
	s6 =	sadd.s32 @!p0 $0x88, s6;
	s7 =	simm.s32 @p2 $0x1082  }
0x22: {  	[simem:s7], [sflag:s8] =	dma.local @!p0 [hbm:s6], $0xF7A  }
0x23: {  	s9 =	sor.u32 $0xD0000000, s2;
	s6 =	simm.s32 $0x108;
	_ =	swait.ge @!p0 [sflag:s8], $0x0  }
0x24: {  	s3 =	sadd.s32 $0x88, s3;
	s6 =	simm.s32 @!p1 $0x1082;
	[sflag:s4] =	ssyncset.s32 $0xFFFFF086  }
0x25: {  	[simem:s6], [sflag:s4] =	dma.local [hbm:s3], $0xF7A  }
0x26: {  	[smem:$0x3F9E] =	sst s1;
	(tag) =	ssettag s2;
	_ =	strace s9  }
0x27: {  	s1 =	sld [smem:$0x3FAE]  }
0x28: {  	s2 =	sld [smem:$0x3FAF]  }
0x29: {  	s4 =	sld [smem:$0x3FB1]  }
0x2a: {  	p0 =	seq.s32 s5, $0x0;
	s5 =	sld [smem:$0x3FB2]  }
0x2b: {  	s6 =	sld [smem:$0x3FB3]  }
0x2c: {  	s7 =	sld [smem:$0x3FB4]  }
0x2d: {  	s3 =	simm.s32 $0x108;
	s8 =	sld [smem:$0x3FB5]  }
0x2e: {  	s3 =	simm.s32 @!p0 $0x1082;
	s9 =	sld [smem:$0x3FB6]  }
0x2f: {  	lr =	sadd.s32 s0, s3;
	s0 =	sld [smem:$0x3FAD]  }
0x30: {  	s3 =	sld [smem:$0x3FB0]  }
0x31: {  	[smem:$0x3FB9] =	sst s10  }
0x32: {  	s10 =	sld [smem:$0x3FB7];
	_ =	sdelay $0x3  }
0x33: {  	p0 =	seq.s32 s10, $0x1;
	s10 =	sld [smem:$0x3FB9];
	_ =	sdelay $0x3  }
0x34: {  	[smem:$0x3FB9] =	sst s10  }
0x35: {  	s10 =	sld [smem:$0x3FB8];
	_ =	sdelay $0x3  }
0x36: {  	p1 =	seq.s32 s10, $0x1;
	s10 =	sld [smem:$0x3FB9];
	_ =	sdelay $0x3  }
0x37: {  	[smem:$0x3FB9] =	sst s10  }
0x38: {  	s10 =	sld [smem:$0x3FBA]  }
0x39: {  	_ = 	snop;
	(pc) =	sbr.ind lr, $3  }
0x3a: {  	_ = 	snop  }
0x3b: {  	_ = 	snop  }
0x3c: {  	p2 =	seq.s32 s10, $0x1;
	s10 =	sld [smem:$0x3FB9]  }
0x3d: {  	_ =	shalt  }
0x3e: {  	_ =	shalt  }
0x3f: {  	_ =	shalt  }
0x40: {  	_ =	shalt  }
0x41: {  	_ =	shalt  }
0x42: {  	_ =	shalt  }
0x43: {  	_ =	shalt  }
0x44: {  	_ =	shalt  }
0x45: {  	_ =	shalt  }
0x46: {  	_ =	shalt  }
0x47: {  	_ =	shalt  }
0x48: {  	_ =	shalt  }
0x49: {  	_ =	shalt  }
0x4a: {  	_ =	shalt  }
0x4b: {  	_ =	shalt  }
0x4c: {  	_ =	shalt  }
0x4d: {  	_ =	shalt  }
0x4e: {  	_ =	shalt  }
0x4f: {  	_ =	shalt  }
0x50: {  	_ =	shalt  }
0x51: {  	_ =	shalt  }
0x52: {  	_ =	shalt  }
0x53: {  	_ =	shalt  }
0x54: {  	_ =	shalt  }
0x55: {  	_ =	shalt  }
0x56: {  	_ =	shalt  }
0x57: {  	_ =	shalt  }
0x58: {  	_ =	shalt  }
0x59: {  	_ =	shalt  }
0x5a: {  	_ =	shalt  }
0x5b: {  	_ =	shalt  }
0x5c: {  	_ =	shalt  }
0x5d: {  	_ =	shalt  }
0x5e: {  	_ =	shalt  }
0x5f: {  	_ =	shalt  }
0x60: {  	_ =	shalt  }
0x61: {  	_ =	shalt  }
0x62: {  	_ =	shalt  }
0x63: {  	_ =	shalt  }
0x64: {  	_ =	shalt  }
0x65: {  	_ =	shalt  }
0x66: {  	_ =	shalt  }
0x67: {  	_ =	shalt  }
0x68: {  	_ =	shalt  }
0x69: {  	_ =	shalt  }
0x6a: {  	_ =	shalt  }
0x6b: {  	_ =	shalt  }
0x6c: {  	_ =	shalt  }
0x6d: {  	_ =	shalt  }
0x6e: {  	_ =	shalt  }
0x6f: {  	_ =	shalt  }
0x70: {  	_ =	shalt  }
0x71: {  	_ =	shalt  }
0x72: {  	_ =	shalt  }
0x73: {  	_ =	shalt  }
0x74: {  	_ =	shalt  }
0x75: {  	_ =	shalt  }
0x76: {  	_ =	shalt  }
0x77: {  	_ =	shalt  }
0x78: {  	_ =	shalt  }
0x79: {  	_ =	shalt  }
0x7a: {  	_ =	shalt  }
0x7b: {  	_ =	shalt  }
0x7c: {  	_ =	shalt  }
0x7d: {  	_ =	shalt  }
0x7e: {  	_ =	shalt  }
0x7f: {  	_ =	shalt  }
0x80: {  	_ =	shalt  }
0x81: {  	_ =	shalt  }
0x82: {  	_ =	shalt  }
0x83: {  	_ =	shalt  }
0x84: {  	_ =	shalt  }
0x85: {  	_ =	shalt  }
0x86: {  	_ =	shalt  }
0x87: {  	_ =	shalt  }
.Lfunc_end0:
.L_simem_size_0:
called_computation.1_lowered:
.L_overlay_start_0:
0x88: {  	s2 =	sld [smem:$0x3FD9]  }
0x89: {  	s3 =	sld [smem:$0x3FFE];
	_ =	sdelay $0x1  }
0x8a: {  	s1 =	srdreg.scid  }
0x8b: {  	s0 =	sand.u32 $0x1, s1  }
0x8c: {  	s17 =	sshll.u32 s0, $0xA;
	s2 =	sadd.s32 s3, s2  }
0x8d: {  	s2 =	sadd.s32 s2, s17  }
0x8e: {  	[smem:$0x3FC5] =	sst s2  }
0x8f: {  	_ = 	snop  }
0x90: {  	s2 =	sld [smem:$0x3FC9]  }
0x91: {  	s18 =	sld [smem:$0x3FD0];
	(tm) =	ssettm $0x1  }
0x92: {  	s4 =	sld [smem:$0x3FFB];
	_ =	sdelay $0x3  }
0x93: {  	_ =	strace s4  }
0x94: {  	s4 =	sld [smem:$0x3FFC];
	_ =	sdelay $0x3  }
0x95: {  	_ =	strace s4  }
0x96: {  	s4 =	sld [smem:$0x3FFD];
	_ =	sdelay $0x3  }
0x97: {  	_ =	strace s4  }
0x98: {  	_ =	strace $0x8FFFFFFF  }
0x99: {  	s19 =	sld [smem:$0x3FDB];
	_ =	sdelay $0x1  }
0x9a: {  	s5 =	simm.s32 $_scs_section_size  }
0x9b: {  	s6 =	simm.s32 $_size__tile_overlayer_lowered;
	s7 =	simm.s32 $_tile_overlayer_lowered  }
0x9c: {  	s22 =	simm.s32 $0x1BFF;
	s21 =	sshll.u32 s7, $0x1;
	s4 =	sadd.s32 s5, s19  }
0x9d: {  	s8 =	simm.s32 $0x0;
	s20 =	sshll.u32 s6, $0x1;
	s6 =	sadd.s32 s21, s4  }
0x9e: {  	[timem:s8], [sflag:s22] =	dma.local [hbm:s6], s20  }
0x9f: {  	_ =	swait.ge [sflag:s22], s20  }
0xa0: {  	s5 =	ssub.s32 $0x0, s20;
	[sflag:s22] =	ssyncset.done $0x0  }
0xa1: {  	[sflag:s22] =	ssyncadd.s32 s5;
	_ =	sdelay $0x1  }
0xa2: {  	s23 =	simm.s32 $0x1B8B  }
0xa3: {  	_ =	swait.ge [sflag:s23], $0x1  }
0xa4: {  	[sflag:s23] =	ssyncset.done $0x0  }
0xa5: {  	s25 =	simm.s32 $0x1B8E;
	s24 =	sld [smem:$0x3FFE];
	[sflag:s23] =	ssyncadd.s32 $0xFFFFFFFF  }
0xa6: {  	s26 =	simm.s32 $execute0_lowered;
	[smem:$0x3FD2] =	sst s25  }
0xa7: {  	s6 =	sshll.u32 s26, $0x1;
	_ =	strace $0x80000049;
	[dreg:$0x1] =	wrdreg $0xFFFFFFFF  }
0xa8: {  	s28 =	simm.s32 $_size_execute0_lowered;
	s4 =	sadd.s32 s4, s6;
	[dreg:$0x0] =	wrdreg $0x0  }
0xa9: {  	s6 =	sshll.u32 s28, $0x1;
	[dreg:$0x2] =	wrdreg s4  }
0xaa: {  	[dreg:$0x3] =	wrdreg s6  }
0xab: {  	[dreg:$0x4] =	wrdreg $0xC0  }
0xac: {  	_ =	task [dreg:s8], $0x5FFFF  }
0xad: {  	[dreg:$0x1] =	wrdreg $0xFFFFFFFF  }
0xae: {  	[dreg:$0x0] =	wrdreg $0x60  }
0xaf: {  	[dreg:$0x2] =	wrdreg s2  }
0xb0: {  	[dreg:$0x3] =	wrdreg s24  }
0xb1: {  	[dreg:$0x4] =	wrdreg s18  }
0xb2: {  	[dreg:$0x5] =	wrdreg $0x9  }
0xb3: {  	_ =	task.clear_ibuf [dreg:s8], $0x6FFFF;
	_ =	strace $0x90000049  }
0xb4: {  	s29 =	simm.s32 $0x9;
	_ =	strace $0x8000004B  }
0xb5: {  	_ =	swait.ge [sflag:s29], $0x1  }
0xb6: {  	[sflag:s29] =	ssyncadd.s32 $0xFFFFFFFF  }
0xb7: {  	_ =	strace $0x9000004B  }
0xb8: {  	_ =	sfence  }
0xb9: {  	s30 =	sld [smem:$0x0];
	_ =	sdelay $0x2  }
0xba: {  	s31 =	sshll.u32 s1, $0xD;
	s1 =	sshrl.u32 s1, $0x2  }
0xbb: {  	s3 =	sand.u32 $0x4000, s31;
	s1 =	sadd.s32 s1, s30  }
0xbc: {  	s0 =	sor.u32 s3, s0;
	s1 =	sshll.u32 s1, $0x11  }
0xbd: {  	s0 =	sor.u32 s1, s0  }
0xbe: {  	s0 =	sadd.s32 $0x8F2B, s0  }
0xbf: {  	[sflag:s0] =	ssyncadd.remote.s32 $0x1  }
0xc0: {  	_ =	sfence.sel $0xFFFF  }
0xc1: {  	[dreg:$0x0] =	wrdreg $0xFFFFFFFF;
	(pc) =	sbr.abs _section_cstart, $3  }
0xc2: {  	[dreg:$0x1] =	wrdreg $0xFFFFFFFF  }
0xc3: {  	_ =	task.clear_ibuf [dreg:s8], $0x2FFFF;
	_ =	strace $0x9FFFFFFF  }
0xc4: {  	(tm) =	ssettm $0x7FFFFFFF  }
0xc5: {  	_ =	shalt  }
tec
execute0_lowered:
.L_overlay_start_1:
0x0: {  	(tag) =	ssettag $0x1  }
0x1: {  	s4 =	rddreg [dreg:$0x0]  }
0x2: {  	s6 =	rddreg [dreg:$0x1]  }
0x3: {  	s5 =	rddreg [dreg:$0x2]  }
0x4: {  	s0 =	rddreg [dreg:$0x3]  }
0x5: {  	s2 =	simm.s32 $0x0;
	s3 =	srdreg.scid;
	s1 =	stileid.u32  }
0x6: {  	s11 =	simm.s32 $0x6800;
	s12 =	simm.s32 $0x1400;
	s13 =	simm.s32 $0x4000  }
0x7: {  	s14 =	simm.s32 $0x1;
	s15 =	simm.s32 $0x6A00;
	s16 =	simm.s32 $0x0  }
0x8: {  	[smem:$0x7FF] =	sst s2;
	s3 =	sand.u32 $0x1, s3;
	s8 =	sshll.u32 s1, $0xA  }
0x9: {  	_ =	strace $0x8000004A;
	s7 =	ssub.s32 $0x2, s3;
	s9 =	sshll.u32 s3, $0x9  }
0xa: {  	s3 =	sadd.s32 $0xB000, s6;
	s10 =	sshrl.u32 s7, $0x1;
	s8 =	sor.u32 s9, s8  }
0xb: {  	s9 =	simm.s32 $0x20000;
	s4 =	sadd.s32 s4, s8;
	s8 =	sshrl.u32 s8, $0x3  }
0xc: {  	s7 =	ssub.s32 s7, s10;
	s10 =	simm.s32 $0x2;
	s5 =	sadd.s32 s5, s8  }
0xd: {  	s6 =	sadd.s32 s6, s8;
	s7 =	smax.u32 s7, $0x1;
	s8 =	simm.s32 $0x1000  }
.LBB2_1:
0xe: {  	[tilespmem:s2], [sflag:$0x2] =	stream.strided.gather [hbm4b:s4+s8], $0x4000, s9, s8, $0x38;
	[tilespmem:$0x6C00] =	vst v63  }
0xf: {  	s17 =	simm.s32 $0x0  }
0x10: {  	s18 =	simm.s32 $0x1200;
	s19 =	simm.s32 $0x480;
	_ =	swait.ge [sflag:s10], $0x4000  }
0x11: {  	s22 =	simm.s32 $0x0;
	s31 =	sand.u32 $0x70, s2;
	[sflag:s10] =	ssyncset.done $0x0  }
0x12: {  	s18 =	sand.u32 $0x3000, s18;
	s17 =	sand.u32 $0xFFFFFC00, s17;
	[sflag:s10] =	ssyncadd.s32 $0xFFFFC000  }
0x13: {  	[tilespmem:s11], [sflag:$0x2] =	stream.linear.gather [hbm4b:s5+s2], $0x200, $0x38;
	[tilespmem:$0x6C00] =	vst v63  }
0x14: {  	s19 =	sand.u32 $0x380, s19;
	s17 =	sadd.s32 s17, s18;
	_ =	swait.ge [sflag:s10], $0x200  }
0x15: {  	s21 =	simm.s32 $0x2;
	s17 =	sor.u32 s19, s17;
	[sflag:s10] =	ssyncset.done $0x0  }
0x16: {  	s20 =	simm.s32 $0x80;
	s18 =	sor.u32 s31, s17;
	[sflag:s10] =	ssyncadd.s32 $0xFFFFFE00  }
0x17: {  	s19 =	simm.s32 $0x0;
	s17 =	simm.s32 $0x0;
	v0 =	vld [tilespmem:s18+$0x0];
	s18 =	simm.s32 $0x0  }
.LBB2_2:
0x18: {  	p0 =	sne.s32 s21, $0x13F  }
0x19: {  	s23 =	sshll.u32 s17, $0xC;
	s24 =	sadd.s32 $0x9, s17;
	s22 =	smul.u32 $0x9C40, s22  }
0x1a: {  	s23 =	ssub.s32 s20, s23;
	s25 =	sshll.u32 s24, $0x9;
	s24 =	sshll.u32 s24, $0x7  }
.Ltmp0:
0x1b: {  	s25 =	sand.u32 $0x3000, s25;
	s23 =	sand.u32 $0xFFFFFC00, s23;
	(pc) =	sbr.rel @p0 .LBB2_2-.Ltmp0, $4  }
0x1c: {  	s18 =	sadd.s32 $0x10, s18;
	s24 =	sand.u32 $0x380, s24;
	s23 =	sadd.s32 s23, s25  }
0x1d: {  	s19 =	sand.u32 $0x1FF0, s19;
	s25 =	sand.u32 $0x70, s18;
	s23 =	sor.u32 s24, s23;
	v0 =	vadd.s32 s22, v0  }
0x1e: {  	s22 =	smov.u32 s17;
	s23 =	sor.u32 s25, s23;
	[tilespmem:s19+$0x4000] =	vst v0;
	s19 =	smov.u32 s18  }
0x1f: {  	s20 =	sadd.s32 $0x80, s20;
	s17 =	sshrl.u32 s21, $0x5;
	s21 =	sadd.s32 $0x1, s21;
	v0 =	vld [tilespmem:s23+$0x0]  }
0x20: {  	s21 =	sshll.u32 s17, $0xC;
	s23 =	sadd.s32 $0x9, s17  }
0x21: {  	s22 =	smul.u32 $0x9C40, s22;
	s20 =	ssub.s32 s20, s21;
	s24 =	sshll.u32 s23, $0x9  }
0x22: {  	s23 =	sshll.u32 s23, $0x7;
	s21 =	sand.u32 $0x3000, s24;
	s20 =	sand.u32 $0xFFFFFC00, s20  }
0x23: {  	s18 =	sadd.s32 $0x10, s18;
	s23 =	sand.u32 $0x380, s23;
	s20 =	sadd.s32 s20, s21  }
0x24: {  	s19 =	sand.u32 $0x1FF0, s19;
	s25 =	sand.u32 $0x70, s18;
	s20 =	sor.u32 s23, s20;
	v0 =	vadd.s32 s22, v0  }
0x25: {  	s20 =	sor.u32 s25, s20;
	[tilespmem:s19+$0x4000] =	vst v0  }
0x26: {  	v0 =	vld [tilespmem:s20+$0x0];
	_ =	sdelay $0x2  }
0x27: {  	s26 =	smul.u32 $0x9C40, s17;
	_ =	sdelay $0x1  }
0x28: {  	s28 =	sand.u32 $0x1FF0, s18;
	v0 =	vadd.s32 s26, v0  }
0x29: {  	s29 =	simm.s32 $0x5400;
	[tilespmem:s28+$0x4000] =	vst v0  }
0x2a: {  	[tilespmem:s29], [sflag:$0x1] =	stream.indirect.gather [hbm4b:s3+s12], $0x1, s13, s12, $0xb8;
	[tilespmem:$0x6C00] =	vst v63  }
0x2b: {  	_ =	swait.ge [sflag:s14], $0x1400  }
0x2c: {  	[sflag:s14] =	ssyncset.done $0x0  }
0x2d: {  	[sflag:s14] =	ssyncadd.s32 $0xFFFFEC00  }
0x2e: {  	s30 =	simm.s32 $0x6800;
	v0 =	vld [tilespmem:s29+$0x0]  }
0x2f: {  	s31 =	simm.s32 $0x0;
	v1 =	vld [tilespmem:s30+$0x0]  }
0x30: {  	s17 =	sand.u32 $0x1F0, s31  }
0x31: {  	v2 =	vld [tilespmem:s17+$0x5600];
	_ =	sdelay $0x1  }
0x32: {  	v3 =	vld [tilespmem:s17+$0x5800]  }
0x33: {  	v0 =	vadd.f32 v0, v1  }
0x34: {  	v1 =	vld [tilespmem:s17+$0x5A00]  }
0x35: {  	v0 =	vadd.f32 v2, v0  }
0x36: {  	v2 =	vld [tilespmem:s17+$0x5C00]  }
0x37: {  	v0 =	vadd.f32 v3, v0  }
0x38: {  	v3 =	vld [tilespmem:s17+$0x5E00]  }
0x39: {  	v0 =	vadd.f32 v1, v0  }
0x3a: {  	v1 =	vld [tilespmem:s17+$0x6000]  }
0x3b: {  	v0 =	vadd.f32 v2, v0  }
0x3c: {  	v2 =	vld [tilespmem:s17+$0x6200]  }
0x3d: {  	v0 =	vadd.f32 v3, v0  }
0x3e: {  	v3 =	vld [tilespmem:s17+$0x6400]  }
0x3f: {  	v0 =	vadd.f32 v1, v0  }
0x40: {  	v1 =	vld [tilespmem:s17+$0x6600]  }
0x41: {  	v0 =	vadd.f32 v2, v0;
	_ =	sdelay $0x1  }
0x42: {  	v0 =	vadd.f32 v3, v0;
	_ =	sdelay $0x1  }
0x43: {  	v0 =	vadd.f32 v1, v0  }
0x44: {  	s17 =	simm.s32 $0x6A00  }
0x45: {  	s18 =	simm.s32 $0x5410;
	[tilespmem:s17+$0x0] =	vst v0  }
0x46: {  	s19 =	simm.s32 $0x6810;
	v0 =	vld [tilespmem:s18+$0x0]  }
0x47: {  	s21 =	simm.s32 $0x20;
	s20 =	simm.s32 $0x10;
	v1 =	vld [tilespmem:s19+$0x0]  }
.LBB2_4:
0x48: {  	p0 =	sne.s32 s21, $0x1F0;
	s22 =	sand.u32 $0x1F0, s20;
	s20 =	smov.u32 s21  }
0x49: {  	v2 =	vld [tilespmem:s22+$0x5600];
	_ =	sdelay $0x1  }
0x4a: {  	v3 =	vld [tilespmem:s22+$0x5800]  }
0x4b: {  	v0 =	vadd.f32 v0, v1  }
0x4c: {  	v1 =	vld [tilespmem:s22+$0x5A00]  }
0x4d: {  	v0 =	vadd.f32 v2, v0  }
0x4e: {  	v2 =	vld [tilespmem:s22+$0x5C00]  }
0x4f: {  	v0 =	vadd.f32 v3, v0  }
0x50: {  	v3 =	vld [tilespmem:s22+$0x5E00]  }
0x51: {  	v0 =	vadd.f32 v1, v0  }
0x52: {  	v1 =	vld [tilespmem:s22+$0x6000]  }
0x53: {  	v0 =	vadd.f32 v2, v0  }
0x54: {  	v2 =	vld [tilespmem:s22+$0x6200]  }
0x55: {  	v0 =	vadd.f32 v3, v0  }
0x56: {  	v3 =	vld [tilespmem:s22+$0x6400]  }
0x57: {  	v0 =	vadd.f32 v1, v0  }
0x58: {  	v1 =	vld [tilespmem:s22+$0x6600]  }
0x59: {  	v0 =	vadd.f32 v2, v0;
	_ =	sdelay $0x1  }
0x5a: {  	v0 =	vadd.f32 v3, v0;
	_ =	sdelay $0x1  }
.Ltmp1:
0x5b: {  	v0 =	vadd.f32 v1, v0;
	(pc) =	sbr.rel @p0 .LBB2_4-.Ltmp1, $4  }
0x5c: {  	s17 =	sadd.s32 $0x10, s17  }
0x5d: {  	s18 =	sadd.s32 $0x10, s18;
	[tilespmem:s17+$0x0] =	vst v0  }
0x5e: {  	s19 =	sadd.s32 $0x10, s19;
	v0 =	vld [tilespmem:s18+$0x0]  }
0x5f: {  	s21 =	sadd.s32 $0x10, s21;
	v1 =	vld [tilespmem:s19+$0x0]  }
0x60: {  	s18 =	sand.u32 $0x1F0, s20  }
0x61: {  	v2 =	vld [tilespmem:s18+$0x5600];
	_ =	sdelay $0x1  }
0x62: {  	v3 =	vld [tilespmem:s18+$0x5800]  }
0x63: {  	v0 =	vadd.f32 v0, v1  }
0x64: {  	v57 =	vld [tilespmem:s18+$0x5A00]  }
0x65: {  	v0 =	vadd.f32 v2, v0  }
0x66: {  	v58 =	vld [tilespmem:s18+$0x5C00]  }
0x67: {  	v0 =	vadd.f32 v3, v0  }
0x68: {  	v59 =	vld [tilespmem:s18+$0x5E00]  }
0x69: {  	v0 =	vadd.f32 v57, v0  }
0x6a: {  	v60 =	vld [tilespmem:s18+$0x6000]  }
0x6b: {  	v0 =	vadd.f32 v58, v0  }
0x6c: {  	v61 =	vld [tilespmem:s18+$0x6200]  }
0x6d: {  	v0 =	vadd.f32 v59, v0  }
0x6e: {  	v62 =	vld [tilespmem:s18+$0x6400]  }
0x6f: {  	v0 =	vadd.f32 v60, v0  }
0x70: {  	v63 =	vld [tilespmem:s18+$0x6600]  }
0x71: {  	v0 =	vadd.f32 v61, v0;
	_ =	sdelay $0x1  }
0x72: {  	v0 =	vadd.f32 v62, v0;
	_ =	sdelay $0x1  }
0x73: {  	s16 =	sadd.s32 $0x1, s16;
	v0 =	vadd.f32 v63, v0  }
0x74: {  	s17 =	sadd.s32 $0x10, s17;
	p0 =	sne.s32 s16, s7  }
.Ltmp2:
0x75: {  	[tilespmem:s17+$0x0] =	vst v0;
	(pc) =	sbr.rel @p0 .LBB2_1-.Ltmp2, $4  }
0x76: {  	[hbm4b:s6+s2] =	stream.linear.scatter [tilespmem:s15], [sflag:$0x2], $0x200, $0x38;
	[tilespmem:$0x6C00] =	vst v63  }
0x77: {  	_ =	swait.ge [sflag:s10], $0x200  }
0x78: {  	[sflag:s10] =	ssyncset.done $0x0  }
0x79: {  	[sflag:s10] =	ssyncadd.s32 $0xFFFFFE00  }
0x7a: {  	_ =	sfence.sel $0x180000  }
0x7b: {  	[bflag:$0x0] =	sbarrier.arrive $0xFFFF  }
0x7c: {  	p0 =	sne.s32 s1, $0x0;
	_ =	strace $0x9000004A  }
0x7d: {  	s0 =	sadd.s32 @!p0 $0x100000, s0;
	[bflag:$0x2] =	sbarrier.arrive $0xFFFF  }
0x7e: {  	[sflag:s0] =	ssyncadd.tile.s32 @!p0 $0x1;
	_ =	shalt  }
.Lfunc_end2:
_tile_overlayer_lowered:
.L_overlay_start_2:
0x7f: {  	(tag) =	ssettag $0x2  }
0x80: {  	s0 =	rddreg [dreg:$0x0];
	s2 =	stileid.u32  }
0x81: {  	s1 =	rddreg [dreg:$0x1];
	p0 =	sne.s32 s2, $0x0  }
0x82: {  	s3 =	rddreg [dreg:$0x2];
	[bflag:$0x3] =	sbarrier.arrive $0xFFFF;
	s2 =	simm.s32 @!p0 $0x1C02  }
0x83: {  	[timem:s3], [sflag:s2] =	dma.local @!p0 [hbm:s0], s1  }
0x84: {  	s0 =	simm.s32 @!p0 $0x2  }
0x85: {  	_ =	swait.ge @!p0 [sflag:s0], s1  }
0x86: {  	s1 =	ssub.s32 @!p0 $0x0, s1;
	[sflag:s0] =	ssyncset.done @!p0 $0x0  }
0x87: {  	[sflag:s0] =	ssyncadd.s32 @!p0 s1  }
0x88: {  	[bflag:$0x3] =	sbarrier.arrive $0xFFFF  }
0x89: {  	_ =	shalt  }

</sc_bundles>
